<compile_context>
chip_gen: v7x
topology: tpu7x:2x2x1
jax: 0.10.2.dev20260603
libtpu: 0.0.44.dev20260713+nightly
codegen_flags: <defaults>
</compile_context>

<pallas_src>
import functools

import jax
import jax.numpy as jnp
from jax import lax
from jax.experimental import pallas as pl
from jax.experimental.pallas import tpu as pltpu
from jax.experimental.pallas import tpu_sc as plsc

N = 10000
E = 320000
D_IN = 128
D_H = 256
D_OUT = 128

NW = 32
CHUNK = 128
NCH = E // CHUNK
BCPT = NCH // NW
NP = 10240
RPS = NP // 16

_mesh = plsc.VectorSubcoreMesh(core_axis_name="c", subcore_axis_name="s")


@functools.partial(
    pl.kernel,
    out_type=jax.ShapeDtypeStruct((2, NP), jnp.float32),
    mesh=_mesh,
    scratch_types=[
        pltpu.VMEM(((BCPT + 1) * CHUNK,), jnp.int32),
        pltpu.VMEM((CHUNK,), jnp.int32),
        pltpu.VMEM((CHUNK,), jnp.int32),
        pltpu.VMEM((CHUNK,), jnp.float32),
        pltpu.VMEM_SHARED((NP,), jnp.float32),
        pltpu.SemaphoreType.DMA,
        pltpu.SemaphoreType.DMA,
    ],
    compiler_params=pltpu.CompilerParams(needs_layout_passes=False),
)
def _sc_degree(dst_hbm, zt_hbm, deg_out, dstv, idxr_a, idxr_b, ones_v,
               deg_sh, sd_a, sd_b):
    cid = lax.axis_index("c")
    sid = lax.axis_index("s")
    wid = sid * 2 + cid
    cb = BCPT * wid + jnp.minimum(wid, 4)
    for k in range(CHUNK // 16):
        ones_v[pl.ds(k * 16, 16)] = jnp.ones((16,), jnp.float32)
    pltpu.sync_copy(zt_hbm.at[pl.ds(sid * RPS, RPS)],
                    deg_sh.at[pl.ds(sid * RPS, RPS)])
    pltpu.sync_copy(dst_hbm.at[pl.ds(cb * CHUNK, BCPT * CHUNK)],
                    dstv.at[pl.ds(0, BCPT * CHUNK)])

    @pl.when(wid < 4)
    def _():
        pltpu.sync_copy(dst_hbm.at[pl.ds((cb + BCPT) * CHUNK, CHUNK)],
                        dstv.at[pl.ds(BCPT * CHUNK, CHUNK)])

    plsc.subcore_barrier()
    idxr = (idxr_a, idxr_b)
    sd = (sd_a, sd_b)

    @pl.loop(0, BCPT, step=2)
    def _(j):
        for b in range(2):
            jj = j + b

            @pl.when(jj > 1)
            def _():
                pltpu.make_async_copy(ones_v, deg_sh.at[idxr[b]],
                                      sd[b]).wait()

            for k in range(CHUNK // 16):
                idxr[b][pl.ds(k * 16, 16)] = dstv[
                    pl.ds(jj * CHUNK + k * 16, 16)]
            pltpu.async_copy(ones_v, deg_sh.at[idxr[b]], sd[b], add=True)

    @pl.when(wid < 4)
    def _():
        pltpu.make_async_copy(ones_v, deg_sh.at[idxr_a], sd_a).wait()
        for k in range(CHUNK // 16):
            idxr_a[pl.ds(k * 16, 16)] = dstv[
                pl.ds(BCPT * CHUNK + k * 16, 16)]
        pltpu.async_copy(ones_v, deg_sh.at[idxr_a], sd_a, add=True)

    pltpu.make_async_copy(ones_v, deg_sh.at[idxr_a], sd_a).wait()
    pltpu.make_async_copy(ones_v, deg_sh.at[idxr_b], sd_b).wait()

    plsc.subcore_barrier()
    pltpu.sync_copy(deg_sh.at[pl.ds(sid * RPS, RPS)],
                    deg_out.at[cid].at[pl.ds(sid * RPS, RPS)])


@functools.partial(
    pl.kernel,
    out_type=(
        jax.ShapeDtypeStruct((2, NP, D_IN), jnp.float32),
        jax.ShapeDtypeStruct((2, NP), jnp.float32),
    ),
    mesh=_mesh,
    scratch_types=[
        pltpu.VMEM((CHUNK,), jnp.int32),
        pltpu.VMEM((CHUNK,), jnp.int32),
        pltpu.VMEM((CHUNK,), jnp.int32),
        pltpu.VMEM((CHUNK,), jnp.int32),
        pltpu.VMEM((CHUNK, D_IN), jnp.float32),
        pltpu.VMEM((CHUNK, D_IN), jnp.float32),
        pltpu.VMEM((CHUNK,), jnp.float32),
        pltpu.VMEM((CHUNK,), jnp.float32),
        pltpu.VMEM((N,), jnp.float32),
        pltpu.VMEM_SHARED((NP, D_IN), jnp.float32),
        pltpu.VMEM_SHARED((NP,), jnp.float32),
        pltpu.SemaphoreType.DMA,
        pltpu.SemaphoreType.DMA,
        pltpu.SemaphoreType.DMA,
        pltpu.SemaphoreType.DMA,
        pltpu.SemaphoreType.DMA,
        pltpu.SemaphoreType.DMA,
        pltpu.SemaphoreType.DMA,
        pltpu.SemaphoreType.DMA,
    ],
    compiler_params=pltpu.CompilerParams(needs_layout_passes=False),
)
def _sc_edge_pass(src_hbm, dst_hbm, y_hbm, dis_hbm, zs_hbm, zt_hbm,
                  s_out, t_out, idxs_a, idxs_b, idxd_a, idxd_b,
                  rows_a, rows_b, dvals_a, dvals_b, dis_loc, s_sh, t_sh,
                  sg_a, sg_b, ss_a, ss_b, si_a, si_b, st_a, st_b):
    cid = lax.axis_index("c")
    sid = lax.axis_index("s")
    wid = sid * 2 + cid
    cpt = jnp.where(wid < 2, BCPT + 2, BCPT)
    base = (BCPT * wid + 2 * jnp.minimum(wid, 2)) * CHUNK
    pltpu.sync_copy(zs_hbm.at[pl.ds(sid * RPS, RPS)],
                    s_sh.at[pl.ds(sid * RPS, RPS)])
    pltpu.sync_copy(zt_hbm.at[pl.ds(sid * RPS, RPS)],
                    t_sh.at[pl.ds(sid * RPS, RPS)])
    pltpu.sync_copy(dis_hbm, dis_loc)
    plsc.subcore_barrier()

    idxs = (idxs_a, idxs_b)
    idxd = (idxd_a, idxd_b)
    rows = (rows_a, rows_b)
    dvals = (dvals_a, dvals_b)
    sg = (sg_a, sg_b)
    ss = (ss_a, ss_b)
    si = (si_a, si_b)
    st = (st_a, st_b)
    pltpu.sync_copy(src_hbm.at[pl.ds(base, CHUNK)], idxs_a)
    pltpu.sync_copy(dst_hbm.at[pl.ds(base, CHUNK)], idxd_a)
    pltpu.async_copy(y_hbm.at[idxs_a], rows_a, sg_a)

    @pl.loop(0, cpt, step=2)
    def _(j):
        for b in range(2):
            jj = j + b
            o = 1 - b

            @pl.when(jj > 0)
            def _():
                pltpu.make_async_copy(
                    rows[o], s_sh.at[idxd[o]], ss[o]).wait()
                pltpu.make_async_copy(
                    dvals[o], t_sh.at[idxs[o]], st[o]).wait()

            @pl.when(jj + 1 < cpt)
            def _():
                off = base + (jj + 1) * CHUNK
                pltpu.async_copy(src_hbm.at[pl.ds(off, CHUNK)],
                                 idxs[o], si[o])
                pltpu.async_copy(dst_hbm.at[pl.ds(off, CHUNK)],
                                 idxd[o], si[o])

            pltpu.make_async_copy(y_hbm.at[idxs[b]], rows[b],
                                  sg[b]).wait()
            pltpu.async_copy(rows[b], s_sh.at[idxd[b]], ss[b], add=True)

            @pl.when(jj + 1 < cpt)
            def _():
                pltpu.make_async_copy(src_hbm.at[pl.ds(0, CHUNK)],
                                      idxs[o], si[o]).wait()
                pltpu.make_async_copy(dst_hbm.at[pl.ds(0, CHUNK)],
                                      idxd[o], si[o]).wait()
                pltpu.async_copy(y_hbm.at[idxs[o]], rows[o], sg[o])

            for k in range(CHUNK // 16):
                idx = idxd[b][pl.ds(k * 16, 16)]
                dvals[b][pl.ds(k * 16, 16)] = plsc.load_gather(
                    dis_loc, [idx])
            pltpu.async_copy(dvals[b], t_sh.at[idxs[b]], st[b], add=True)

    pltpu.make_async_copy(
        rows[1], s_sh.at[idxd[1]], ss[1]).wait()
    pltpu.make_async_copy(
        dvals[1], t_sh.at[idxs[1]], st[1]).wait()

    plsc.subcore_barrier()
    pltpu.sync_copy(s_sh.at[pl.ds(sid * RPS, RPS)],
                    s_out.at[cid].at[pl.ds(sid * RPS, RPS)])
    pltpu.sync_copy(t_sh.at[pl.ds(sid * RPS, RPS)],
                    t_out.at[cid].at[pl.ds(sid * RPS, RPS)])


def _tc_prep_body(deg0_ref, deg1_ref, x_ref, dis_ref, y_ref):
    deg = deg0_ref[...] + deg1_ref[...] + 1.0
    dis = lax.rsqrt(deg[:N, :])
    dis_ref[...] = dis
    y_ref[...] = x_ref[...] * dis


_tc_prep = pl.pallas_call(
    _tc_prep_body,
    out_shape=(
        jax.ShapeDtypeStruct((N, 1), jnp.float32),
        jax.ShapeDtypeStruct((N, D_IN), jnp.float32),
    ),
)

_RB = 2000
_NBLK = N // _RB


def _tc_main_body(s0_ref, s1_ref, y_ref, dis_ref, t0_ref, t1_ref,
                  W1_ref, b1_ref, W2_ref, b2_ref, out_ref, zacc_ref):
    i = pl.program_id(0)
    dis = dis_ref[...]
    agg = dis * (s0_ref[...] + s1_ref[...] + y_ref[...])
    h1 = jnp.dot(agg, W1_ref[...], preferred_element_type=jnp.float32)
    h1 = jnp.maximum(h1 + b1_ref[...], 0.0)
    w = dis * (t0_ref[...] + t1_ref[...] + dis)
    part = jnp.sum(h1 * w, axis=0, keepdims=True)

    @pl.when(i == 0)
    def _():
        zacc_ref[...] = part

    @pl.when(i > 0)
    def _():
        zacc_ref[...] = zacc_ref[...] + part

    @pl.when(i == _NBLK - 1)
    def _():
        z = jnp.dot(zacc_ref[...], W2_ref[...],
                    preferred_element_type=jnp.float32)
        out_ref[...] = z * (1.0 / N) + b2_ref[...]


_tc_main = pl.pallas_call(
    _tc_main_body,
    grid=(_NBLK,),
    in_specs=[
        pl.BlockSpec((_RB, D_IN), lambda i: (i, 0)),
        pl.BlockSpec((_RB, D_IN), lambda i: (i, 0)),
        pl.BlockSpec((_RB, D_IN), lambda i: (i, 0)),
        pl.BlockSpec((_RB, 1), lambda i: (i, 0)),
        pl.BlockSpec((_RB, 1), lambda i: (i, 0)),
        pl.BlockSpec((_RB, 1), lambda i: (i, 0)),
        pl.BlockSpec((D_IN, D_H), lambda i: (0, 0)),
        pl.BlockSpec((1, D_H), lambda i: (0, 0)),
        pl.BlockSpec((D_H, D_OUT), lambda i: (0, 0)),
        pl.BlockSpec((1, D_OUT), lambda i: (0, 0)),
    ],
    out_specs=pl.BlockSpec((1, D_OUT), lambda i: (0, 0)),
    out_shape=jax.ShapeDtypeStruct((1, D_OUT), jnp.float32),
    scratch_shapes=[pltpu.VMEM((1, D_H), jnp.float32)],
)


@jax.jit
def kernel(x, edge_index, W1, b1, W2, b2):
    src1d = edge_index[0]
    dst1d = edge_index[1]
    zt1 = jnp.zeros((NP,), jnp.float32)
    zs = jnp.zeros((NP, D_IN), jnp.float32)

    deg_parts = _sc_degree(dst1d, zt1)
    dis, y = _tc_prep(deg_parts[0].reshape(NP, 1),
                      deg_parts[1].reshape(NP, 1), x)
    s_parts, t_parts = _sc_edge_pass(src1d, dst1d, y, dis.reshape(N),
                                     zs, zt1)

    return _tc_main(s_parts[0], s_parts[1], y, dis,
                    t_parts[0].reshape(NP, 1), t_parts[1].reshape(NP, 1),
                    W1, b1.reshape(1, D_H), W2, b2.reshape(1, D_OUT))

# --- scband reference (transcript-rebuilt; emitter-appended) ---
"""Pipeline reference for scband-simple-gnn-47785806135808 (READ-ONLY COPY).

The authoritative reference and input builder live on the scoring server;
editing this copy changes nothing except your own understanding.
"""

import jax, jax.numpy as jnp
import numpy as np

N = 10000
E = 320000
D_IN = 128
D_H = 256
D_OUT = 128


def setup_inputs(seed: int = 0) -> dict:
    key = jax.random.key(seed)
    k1, k2, k3, k4 = jax.random.split(key, 4)
    x = jax.random.normal(k1, (N, D_IN), dtype=jnp.float32)
    edge_index = jax.random.randint(k2, (2, E), 0, N, dtype=jnp.int32)
    # GCNConv parameters: linear weight (glorot-ish) + bias (zeros), per PyG defaults
    W1 = jax.random.normal(k3, (D_IN, D_H), dtype=jnp.float32) * 0.05
    b1 = jnp.zeros((D_H,), dtype=jnp.float32)
    W2 = jax.random.normal(k4, (D_H, D_OUT), dtype=jnp.float32) * 0.05
    b2 = jnp.zeros((D_OUT,), dtype=jnp.float32)
    return {"x": x, "edge_index": edge_index, "W1": W1, "b1": b1, "W2": W2, "b2": b2}


def _gcn_layer(x, src, dst, norm, W, b):
    # GCNConv: out = D^{-1/2} (A + I) D^{-1/2} X W + b
    h = x @ W
    msg = h[src] * norm[:, None]
    out = jnp.zeros((x.shape[0], W.shape[1]), dtype=h.dtype).at[dst].add(msg)
    return out + b


def reference(x, edge_index, W1, b1, W2, b2):
    n = x.shape[0]
    loop = jnp.arange(n, dtype=edge_index.dtype)
    src = jnp.concatenate([edge_index[0], loop])
    dst = jnp.concatenate([edge_index[1], loop])
    # symmetric normalization with self-loops (PyG GCNConv default)
    deg = jnp.zeros((n,), dtype=x.dtype).at[dst].add(1.0)
    dis = jnp.where(deg > 0, jax.lax.rsqrt(jnp.maximum(deg, 1e-12)), 0.0)
    norm = dis[src] * dis[dst]
    h = _gcn_layer(x, src, dst, norm, W1, b1)
    h = jax.nn.relu(h)
    # dropout(0.2) is identity in eval mode
    h = _gcn_layer(h, src, dst, norm, W2, b2)
    # global_mean_pool with batch = zeros -> mean over all nodes, one graph
    graph_embedding = jnp.mean(h, axis=0, keepdims=True)
    return graph_embedding

if __name__ == "__main__":
    import jax
    _d = setup_inputs()
    print(jax.jit(kernel)(*tuple(_d.values())))

</pallas_src>

<mosaic_0001>
#map = affine_map<(d0, d1) -> (0)>
#map1 = affine_map<(d0, d1) -> (0, 0)>
module attributes {stable_mosaic.version = 14 : i64} {
  func.func @_sc_degree(%arg0: i32, %arg1: i32, %arg2: memref<320000xi32, #tpu.memory_space<hbm>>, %arg3: memref<10240xf32, #tpu.memory_space<hbm>>, %arg4: memref<2x10240xf32, #tpu.memory_space<hbm>>, %arg5: memref<10112xi32, #tpu.memory_space<vmem>>, %arg6: memref<128xi32, #tpu.memory_space<vmem>>, %arg7: memref<128xi32, #tpu.memory_space<vmem>>, %arg8: memref<128xf32, #tpu.memory_space<vmem>>, %arg9: memref<10240xf32, #tpu.memory_space<vmem_shared>>, %arg10: memref<!tpu.dma_semaphore, #tpu.memory_space<semaphore_mem>>, %arg11: memref<!tpu.dma_semaphore, #tpu.memory_space<semaphore_mem>>) attributes {dimension_semantics = [#tpu.dimension_semantics<core_parallel>, #tpu.dimension_semantics<subcore_parallel>], iteration_bounds = array<i64: 2, 16>, scalar_prefetch = 0 : i64, scratch_operands = 7 : i64, tpu.core_type = #tpu.core_type<sc_vector_subcore>, window_params = [{transform_indices = #map}, {transform_indices = #map}, {transform_indices = #map1}]} {
    %mul3A = arith.constant 2 : i32
    %mul3A_0 = arith.muli %arg1, %mul3A : i32
    %add3A = arith.addi %mul3A_0, %arg0 : i32
    %mul3A_1 = arith.constant 78 : i32
    %mul3A_2 = arith.muli %mul3A_1, %add3A : i32
    %min3A = arith.constant 4 : i32
    %min3A_3 = arith.minsi %add3A, %min3A : i32
    %add3A_4 = arith.addi %mul3A_2, %min3A_3 : i32
    %broadcast_in_dim3A = arith.constant 1.000000e+00 : f32
    %broadcast_in_dim3A_5 = vector.broadcast %broadcast_in_dim3A : f32 to vector<16xf32>
    %swap3A = arith.constant 0 : index
    %swap3A_6 = tpu.vector_load %arg8[%swap3A] {strides = array<i32>} : memref<128xf32, #tpu.memory_space<vmem>>, vector<16xf32>,
    tpu.vector_store %arg8[%swap3A], %broadcast_in_dim3A_5 {strides = array<i32>} : memref<128xf32, #tpu.memory_space<vmem>>, vector<16xf32>,
    %broadcast_in_dim3A_7 = arith.constant 1.000000e+00 : f32
    %broadcast_in_dim3A_8 = vector.broadcast %broadcast_in_dim3A_7 : f32 to vector<16xf32>
    %swap3A_9 = arith.constant 16 : index
    %swap3A_10 = tpu.vector_load %arg8[%swap3A_9] {strides = array<i32>} : memref<128xf32, #tpu.memory_space<vmem>>, vector<16xf32>,
    tpu.vector_store %arg8[%swap3A_9], %broadcast_in_dim3A_8 {strides = array<i32>} : memref<128xf32, #tpu.memory_space<vmem>>, vector<16xf32>,
    %broadcast_in_dim3A_11 = arith.constant 1.000000e+00 : f32
    %broadcast_in_dim3A_12 = vector.broadcast %broadcast_in_dim3A_11 : f32 to vector<16xf32>
    %swap3A_13 = arith.constant 32 : index
    %swap3A_14 = tpu.vector_load %arg8[%swap3A_13] {strides = array<i32>} : memref<128xf32, #tpu.memory_space<vmem>>, vector<16xf32>,
    tpu.vector_store %arg8[%swap3A_13], %broadcast_in_dim3A_12 {strides = array<i32>} : memref<128xf32, #tpu.memory_space<vmem>>, vector<16xf32>,
    %broadcast_in_dim3A_15 = arith.constant 1.000000e+00 : f32
    %broadcast_in_dim3A_16 = vector.broadcast %broadcast_in_dim3A_15 : f32 to vector<16xf32>
    %swap3A_17 = arith.constant 48 : index
    %swap3A_18 = tpu.vector_load %arg8[%swap3A_17] {strides = array<i32>} : memref<128xf32, #tpu.memory_space<vmem>>, vector<16xf32>,
    tpu.vector_store %arg8[%swap3A_17], %broadcast_in_dim3A_16 {strides = array<i32>} : memref<128xf32, #tpu.memory_space<vmem>>, vector<16xf32>,
    %broadcast_in_dim3A_19 = arith.constant 1.000000e+00 : f32
    %broadcast_in_dim3A_20 = vector.broadcast %broadcast_in_dim3A_19 : f32 to vector<16xf32>
    %swap3A_21 = arith.constant 64 : index
    %swap3A_22 = tpu.vector_load %arg8[%swap3A_21] {strides = array<i32>} : memref<128xf32, #tpu.memory_space<vmem>>, vector<16xf32>,
    tpu.vector_store %arg8[%swap3A_21], %broadcast_in_dim3A_20 {strides = array<i32>} : memref<128xf32, #tpu.memory_space<vmem>>, vector<16xf32>,
    %broadcast_in_dim3A_23 = arith.constant 1.000000e+00 : f32
    %broadcast_in_dim3A_24 = vector.broadcast %broadcast_in_dim3A_23 : f32 to vector<16xf32>
    %swap3A_25 = arith.constant 80 : index
    %swap3A_26 = tpu.vector_load %arg8[%swap3A_25] {strides = array<i32>} : memref<128xf32, #tpu.memory_space<vmem>>, vector<16xf32>,
    tpu.vector_store %arg8[%swap3A_25], %broadcast_in_dim3A_24 {strides = array<i32>} : memref<128xf32, #tpu.memory_space<vmem>>, vector<16xf32>,
    %broadcast_in_dim3A_27 = arith.constant 1.000000e+00 : f32
    %broadcast_in_dim3A_28 = vector.broadcast %broadcast_in_dim3A_27 : f32 to vector<16xf32>
    %swap3A_29 = arith.constant 96 : index
    %swap3A_30 = tpu.vector_load %arg8[%swap3A_29] {strides = array<i32>} : memref<128xf32, #tpu.memory_space<vmem>>, vector<16xf32>,
    tpu.vector_store %arg8[%swap3A_29], %broadcast_in_dim3A_28 {strides = array<i32>} : memref<128xf32, #tpu.memory_space<vmem>>, vector<16xf32>,
    %broadcast_in_dim3A_31 = arith.constant 1.000000e+00 : f32
    %broadcast_in_dim3A_32 = vector.broadcast %broadcast_in_dim3A_31 : f32 to vector<16xf32>
    %swap3A_33 = arith.constant 112 : index
    %swap3A_34 = tpu.vector_load %arg8[%swap3A_33] {strides = array<i32>} : memref<128xf32, #tpu.memory_space<vmem>>, vector<16xf32>,
    tpu.vector_store %arg8[%swap3A_33], %broadcast_in_dim3A_32 {strides = array<i32>} : memref<128xf32, #tpu.memory_space<vmem>>, vector<16xf32>,
    %mul3A_35 = arith.constant 640 : i32
    %mul3A_36 = arith.muli %arg1, %mul3A_35 : i32
    %mul3A_37 = arith.constant 640 : i32
    %mul3A_38 = arith.muli %arg1, %mul3A_37 : i32
    "tpu.region"() ({
      %run_scoped3A = tpu.sem_alloc : memref<!tpu.dma_semaphore, #tpu.memory_space<semaphore_mem>>
      %dma_start3A = tpu.memref_slice %arg9[%mul3A_38] : memref<10240xf32, #tpu.memory_space<vmem_shared>> -> memref<640xf32, #tpu.memory_space<vmem_shared>>
      %dma_start3A_60 = tpu.memref_slice %arg3[%mul3A_36] : memref<10240xf32, #tpu.memory_space<hbm>> -> memref<640xf32, #tpu.memory_space<hbm>>
      tpu.enqueue_dma source(%dma_start3A_60 : memref<640xf32, #tpu.memory_space<hbm>>) target(%dma_start3A : memref<640xf32, #tpu.memory_space<vmem_shared>>) target_semaphore(%run_scoped3A : memref<!tpu.dma_semaphore, #tpu.memory_space<semaphore_mem>>)
      %dma_wait3A_61 = tpu.memref_slice %arg9[%mul3A_38] : memref<10240xf32, #tpu.memory_space<vmem_shared>> -> memref<640xf32, #tpu.memory_space<vmem_shared>>
      %dma_wait3A_62 = tpu.memref_slice %arg3[%mul3A_36] : memref<10240xf32, #tpu.memory_space<hbm>> -> memref<640xf32, #tpu.memory_space<hbm>>
      tpu.wait_dma2 semaphore(%run_scoped3A : memref<!tpu.dma_semaphore, #tpu.memory_space<semaphore_mem>>) src(%dma_wait3A_62 : memref<640xf32, #tpu.memory_space<hbm>>) dst(%dma_wait3A_61 : memref<640xf32, #tpu.memory_space<vmem_shared>>)
      tpu.yield
    }) : () -> ()
    %mul3A_39 = arith.constant 128 : i32
    %mul3A_40 = arith.muli %add3A_4, %mul3A_39 : i32
    "tpu.region"() ({
      %run_scoped3A = tpu.sem_alloc : memref<!tpu.dma_semaphore, #tpu.memory_space<semaphore_mem>>
      %dma_start3A = arith.constant 0 : i32
      %dma_start3A_60 = tpu.memref_slice %arg5[%dma_start3A] : memref<10112xi32, #tpu.memory_space<vmem>> -> memref<9984xi32, #tpu.memory_space<vmem>>
      %dma_start3A_61 = tpu.memref_slice %arg2[%mul3A_40] : memref<320000xi32, #tpu.memory_space<hbm>> -> memref<9984xi32, #tpu.memory_space<hbm>>
      %dma_start3A_62 = arith.constant 0 : i32
      %dma_start3A_63 = tpu.memref_slice %arg5[%dma_start3A_62] : memref<10112xi32, #tpu.memory_space<vmem>> -> memref<9984xi32, #tpu.memory_space<vmem>>
      %dma_start3A_64 = tpu.memref_slice %arg2[%mul3A_40] : memref<320000xi32, #tpu.memory_space<hbm>> -> memref<9984xi32, #tpu.memory_space<hbm>>
      tpu.enqueue_dma source(%dma_start3A_64 : memref<9984xi32, #tpu.memory_space<hbm>>) target(%dma_start3A_63 : memref<9984xi32, #tpu.memory_space<vmem>>) target_semaphore(%run_scoped3A : memref<!tpu.dma_semaphore, #tpu.memory_space<semaphore_mem>>)
      %dma_wait3A_65 = arith.constant 0 : i32
      %dma_wait3A_66 = tpu.memref_slice %arg5[%dma_wait3A_65] : memref<10112xi32, #tpu.memory_space<vmem>> -> memref<9984xi32, #tpu.memory_space<vmem>>
      %dma_wait3A_67 = tpu.memref_slice %arg2[%mul3A_40] : memref<320000xi32, #tpu.memory_space<hbm>> -> memref<9984xi32, #tpu.memory_space<hbm>>
      %dma_wait3A_68 = arith.constant 0 : i32
      %dma_wait3A_69 = tpu.memref_slice %arg5[%dma_wait3A_68] : memref<10112xi32, #tpu.memory_space<vmem>> -> memref<9984xi32, #tpu.memory_space<vmem>>
      %dma_wait3A_70 = tpu.memref_slice %arg2[%mul3A_40] : memref<320000xi32, #tpu.memory_space<hbm>> -> memref<9984xi32, #tpu.memory_space<hbm>>
      tpu.wait_dma2 semaphore(%run_scoped3A : memref<!tpu.dma_semaphore, #tpu.memory_space<semaphore_mem>>) src(%dma_wait3A_70 : memref<9984xi32, #tpu.memory_space<hbm>>) dst(%dma_wait3A_69 : memref<9984xi32, #tpu.memory_space<vmem>>)
      tpu.yield
    }) : () -> ()
    %lt3A = arith.constant 4 : i32
    %lt3A_41 = arith.cmpi slt, %add3A, %lt3A : i32
    %convert_element_type3A = arith.extui %lt3A_41 : i1 to i32
    %cond3A = arith.constant 0 : i32
    %cond3A_42 = arith.cmpi ne, %convert_element_type3A, %cond3A : i32
    scf.if %cond3A_42 {
      %add3A_60 = arith.constant 78 : i32
      %add3A_61 = arith.addi %add3A_4, %add3A_60 : i32
      %mul3A_62 = arith.constant 128 : i32
      %mul3A_63 = arith.muli %add3A_61, %mul3A_62 : i32
      "tpu.region"() ({
        %run_scoped3A = tpu.sem_alloc : memref<!tpu.dma_semaphore, #tpu.memory_space<semaphore_mem>>
        %dma_start3A = arith.constant 9984 : i32
        %dma_start3A_64 = tpu.memref_slice %arg5[%dma_start3A] : memref<10112xi32, #tpu.memory_space<vmem>> -> memref<128xi32, #tpu.memory_space<vmem>>
        %dma_start3A_65 = tpu.memref_slice %arg2[%mul3A_63] : memref<320000xi32, #tpu.memory_space<hbm>> -> memref<128xi32, #tpu.memory_space<hbm>>
        %dma_start3A_66 = arith.constant 9984 : i32
        %dma_start3A_67 = tpu.memref_slice %arg5[%dma_start3A_66] : memref<10112xi32, #tpu.memory_space<vmem>> -> memref<128xi32, #tpu.memory_space<vmem>>
        %dma_start3A_68 = tpu.memref_slice %arg2[%mul3A_63] : memref<320000xi32, #tpu.memory_space<hbm>> -> memref<128xi32, #tpu.memory_space<hbm>>
        tpu.enqueue_dma source(%dma_start3A_68 : memref<128xi32, #tpu.memory_space<hbm>>) target(%dma_start3A_67 : memref<128xi32, #tpu.memory_space<vmem>>) target_semaphore(%run_scoped3A : memref<!tpu.dma_semaphore, #tpu.memory_space<semaphore_mem>>)
        %dma_wait3A_69 = arith.constant 9984 : i32
        %dma_wait3A_70 = tpu.memref_slice %arg5[%dma_wait3A_69] : memref<10112xi32, #tpu.memory_space<vmem>> -> memref<128xi32, #tpu.memory_space<vmem>>
        %dma_wait3A_71 = tpu.memref_slice %arg2[%mul3A_63] : memref<320000xi32, #tpu.memory_space<hbm>> -> memref<128xi32, #tpu.memory_space<hbm>>
        %dma_wait3A_72 = arith.constant 9984 : i32
        %dma_wait3A_73 = tpu.memref_slice %arg5[%dma_wait3A_72] : memref<10112xi32, #tpu.memory_space<vmem>> -> memref<128xi32, #tpu.memory_space<vmem>>
        %dma_wait3A_74 = tpu.memref_slice %arg2[%mul3A_63] : memref<320000xi32, #tpu.memory_space<hbm>> -> memref<128xi32, #tpu.memory_space<hbm>>
        tpu.wait_dma2 semaphore(%run_scoped3A : memref<!tpu.dma_semaphore, #tpu.memory_space<semaphore_mem>>) src(%dma_wait3A_74 : memref<128xi32, #tpu.memory_space<hbm>>) dst(%dma_wait3A_73 : memref<128xi32, #tpu.memory_space<vmem>>)
        tpu.yield
      }) : () -> ()
    } else {
    }
    %barrier3A = arith.constant 0 : index
    tpu.barrier barrier_id(%barrier3A)
    %scan3A = arith.constant 0 : i32
    %scan3A_43 = arith.constant 39 : i32
    %scan3A_44 = arith.addi %scan3A, %scan3A_43 : i32
    %scan3A_45 = arith.constant 1 : i32
    scf.for %scan3A_60 = %scan3A to %scan3A_44 step %scan3A_45  : i32 {
      %mul3A_61 = arith.constant 2 : i32
      %mul3A_62 = arith.muli %scan3A_60, %mul3A_61 : i32
      %add3A_63 = arith.constant 0 : i32
      %add3A_64 = arith.addi %add3A_63, %mul3A_62 : i32
      %add3A_65 = arith.constant 0 : i32
      %add3A_66 = arith.addi %add3A_64, %add3A_65 : i32
      %gt3A = arith.constant 1 : i32
      %gt3A_67 = arith.cmpi sgt, %add3A_66, %gt3A : i32
      %convert_element_type3A_68 = arith.extui %gt3A_67 : i1 to i32
      %cond3A_69 = arith.constant 0 : i32
      %cond3A_70 = arith.cmpi ne, %convert_element_type3A_68, %cond3A_69 : i32
      scf.if %cond3A_70 {
        %dma_wait3A_208 = arith.constant 0 : i32
        %dma_wait3A_209 = tpu.memref_slice %arg9[%dma_wait3A_208] : memref<10240xf32, #tpu.memory_space<vmem_shared>> -> memref<10240xf32, #tpu.memory_space<vmem_shared>>
        tpu.wait_indirect_dma semaphore(%arg10 : memref<!tpu.dma_semaphore, #tpu.memory_space<semaphore_mem>>) src(%arg8 : memref<128xf32, #tpu.memory_space<vmem>>) dst(%dma_wait3A_209 : memref<10240xf32, #tpu.memory_space<vmem_shared>>)
      } else {
      }
      %mul3A_71 = arith.constant 128 : i32
      %mul3A_72 = arith.muli %add3A_66, %mul3A_71 : i32
      %add3A_73 = arith.constant 0 : i32
      %add3A_74 = arith.addi %mul3A_72, %add3A_73 : i32
      %get3A = arith.index_cast %add3A_74 : i32 to index
      %get3A_75 = tpu.vector_load %arg5[%get3A] {strides = array<i32>} : memref<10112xi32, #tpu.memory_space<vmem>>, vector<16xi32>,
      %swap3A_76 = arith.constant 0 : index
      %swap3A_77 = tpu.vector_load %arg6[%swap3A_76] {strides = array<i32>} : memref<128xi32, #tpu.memory_space<vmem>>, vector<16xi32>,
      tpu.vector_store %arg6[%swap3A_76], %get3A_75 {strides = array<i32>} : memref<128xi32, #tpu.memory_space<vmem>>, vector<16xi32>,
      %mul3A_78 = arith.constant 128 : i32
      %mul3A_79 = arith.muli %add3A_66, %mul3A_78 : i32
      %add3A_80 = arith.constant 16 : i32
      %add3A_81 = arith.addi %mul3A_79, %add3A_80 : i32
      %get3A_82 = arith.index_cast %add3A_81 : i32 to index
      %get3A_83 = tpu.vector_load %arg5[%get3A_82] {strides = array<i32>} : memref<10112xi32, #tpu.memory_space<vmem>>, vector<16xi32>,
      %swap3A_84 = arith.constant 16 : index
      %swap3A_85 = tpu.vector_load %arg6[%swap3A_84] {strides = array<i32>} : memref<128xi32, #tpu.memory_space<vmem>>, vector<16xi32>,
      tpu.vector_store %arg6[%swap3A_84], %get3A_83 {strides = array<i32>} : memref<128xi32, #tpu.memory_space<vmem>>, vector<16xi32>,
      %mul3A_86 = arith.constant 128 : i32
      %mul3A_87 = arith.muli %add3A_66, %mul3A_86 : i32
      %add3A_88 = arith.constant 32 : i32
      %add3A_89 = arith.addi %mul3A_87, %add3A_88 : i32
      %get3A_90 = arith.index_cast %add3A_89 : i32 to index
      %get3A_91 = tpu.vector_load %arg5[%get3A_90] {strides = array<i32>} : memref<10112xi32, #tpu.memory_space<vmem>>, vector<16xi32>,
      %swap3A_92 = arith.constant 32 : index
      %swap3A_93 = tpu.vector_load %arg6[%swap3A_92] {strides = array<i32>} : memref<128xi32, #tpu.memory_space<vmem>>, vector<16xi32>,
      tpu.vector_store %arg6[%swap3A_92], %get3A_91 {strides = array<i32>} : memref<128xi32, #tpu.memory_space<vmem>>, vector<16xi32>,
      %mul3A_94 = arith.constant 128 : i32
      %mul3A_95 = arith.muli %add3A_66, %mul3A_94 : i32
      %add3A_96 = arith.constant 48 : i32
      %add3A_97 = arith.addi %mul3A_95, %add3A_96 : i32
      %get3A_98 = arith.index_cast %add3A_97 : i32 to index
      %get3A_99 = tpu.vector_load %arg5[%get3A_98] {strides = array<i32>} : memref<10112xi32, #tpu.memory_space<vmem>>, vector<16xi32>,
      %swap3A_100 = arith.constant 48 : index
      %swap3A_101 = tpu.vector_load %arg6[%swap3A_100] {strides = array<i32>} : memref<128xi32, #tpu.memory_space<vmem>>, vector<16xi32>,
      tpu.vector_store %arg6[%swap3A_100], %get3A_99 {strides = array<i32>} : memref<128xi32, #tpu.memory_space<vmem>>, vector<16xi32>,
      %mul3A_102 = arith.constant 128 : i32
      %mul3A_103 = arith.muli %add3A_66, %mul3A_102 : i32
      %add3A_104 = arith.constant 64 : i32
      %add3A_105 = arith.addi %mul3A_103, %add3A_104 : i32
      %get3A_106 = arith.index_cast %add3A_105 : i32 to index
      %get3A_107 = tpu.vector_load %arg5[%get3A_106] {strides = array<i32>} : memref<10112xi32, #tpu.memory_space<vmem>>, vector<16xi32>,
      %swap3A_108 = arith.constant 64 : index
      %swap3A_109 = tpu.vector_load %arg6[%swap3A_108] {strides = array<i32>} : memref<128xi32, #tpu.memory_space<vmem>>, vector<16xi32>,
      tpu.vector_store %arg6[%swap3A_108], %get3A_107 {strides = array<i32>} : memref<128xi32, #tpu.memory_space<vmem>>, vector<16xi32>,
      %mul3A_110 = arith.constant 128 : i32
      %mul3A_111 = arith.muli %add3A_66, %mul3A_110 : i32
      %add3A_112 = arith.constant 80 : i32
      %add3A_113 = arith.addi %mul3A_111, %add3A_112 : i32
      %get3A_114 = arith.index_cast %add3A_113 : i32 to index
      %get3A_115 = tpu.vector_load %arg5[%get3A_114] {strides = array<i32>} : memref<10112xi32, #tpu.memory_space<vmem>>, vector<16xi32>,
      %swap3A_116 = arith.constant 80 : index
      %swap3A_117 = tpu.vector_load %arg6[%swap3A_116] {strides = array<i32>} : memref<128xi32, #tpu.memory_space<vmem>>, vector<16xi32>,
      tpu.vector_store %arg6[%swap3A_116], %get3A_115 {strides = array<i32>} : memref<128xi32, #tpu.memory_space<vmem>>, vector<16xi32>,
      %mul3A_118 = arith.constant 128 : i32
      %mul3A_119 = arith.muli %add3A_66, %mul3A_118 : i32
      %add3A_120 = arith.constant 96 : i32
      %add3A_121 = arith.addi %mul3A_119, %add3A_120 : i32
      %get3A_122 = arith.index_cast %add3A_121 : i32 to index
      %get3A_123 = tpu.vector_load %arg5[%get3A_122] {strides = array<i32>} : memref<10112xi32, #tpu.memory_space<vmem>>, vector<16xi32>,
      %swap3A_124 = arith.constant 96 : index
      %swap3A_125 = tpu.vector_load %arg6[%swap3A_124] {strides = array<i32>} : memref<128xi32, #tpu.memory_space<vmem>>, vector<16xi32>,
      tpu.vector_store %arg6[%swap3A_124], %get3A_123 {strides = array<i32>} : memref<128xi32, #tpu.memory_space<vmem>>, vector<16xi32>,
      %mul3A_126 = arith.constant 128 : i32
      %mul3A_127 = arith.muli %add3A_66, %mul3A_126 : i32
      %add3A_128 = arith.constant 112 : i32
      %add3A_129 = arith.addi %mul3A_127, %add3A_128 : i32
      %get3A_130 = arith.index_cast %add3A_129 : i32 to index
      %get3A_131 = tpu.vector_load %arg5[%get3A_130] {strides = array<i32>} : memref<10112xi32, #tpu.memory_space<vmem>>, vector<16xi32>,
      %swap3A_132 = arith.constant 112 : index
      %swap3A_133 = tpu.vector_load %arg6[%swap3A_132] {strides = array<i32>} : memref<128xi32, #tpu.memory_space<vmem>>, vector<16xi32>,
      tpu.vector_store %arg6[%swap3A_132], %get3A_131 {strides = array<i32>} : memref<128xi32, #tpu.memory_space<vmem>>, vector<16xi32>,
      %dma_start3A = arith.constant 0 : i32
      %dma_start3A_134 = tpu.memref_slice %arg9[%dma_start3A] : memref<10240xf32, #tpu.memory_space<vmem_shared>> -> memref<10240xf32, #tpu.memory_space<vmem_shared>>
      tpu.enqueue_indirect_dma source(%arg8 : memref<128xf32, #tpu.memory_space<vmem>>) target(%dma_start3A_134 : memref<10240xf32, #tpu.memory_space<vmem_shared>>) offsets(%arg6 : memref<128xi32, #tpu.memory_space<vmem>>) semaphore(%arg10 : memref<!tpu.dma_semaphore, #tpu.memory_space<semaphore_mem>>) {add = true}
      %add3A_135 = arith.constant 1 : i32
      %add3A_136 = arith.addi %add3A_64, %add3A_135 : i32
      %gt3A_137 = arith.constant 1 : i32
      %gt3A_138 = arith.cmpi sgt, %add3A_136, %gt3A_137 : i32
      %convert_element_type3A_139 = arith.extui %gt3A_138 : i1 to i32
      %cond3A_140 = arith.constant 0 : i32
      %cond3A_141 = arith.cmpi ne, %convert_element_type3A_139, %cond3A_140 : i32
      scf.if %cond3A_141 {
        %dma_wait3A_208 = arith.constant 0 : i32
        %dma_wait3A_209 = tpu.memref_slice %arg9[%dma_wait3A_208] : memref<10240xf32, #tpu.memory_space<vmem_shared>> -> memref<10240xf32, #tpu.memory_space<vmem_shared>>
        tpu.wait_indirect_dma semaphore(%arg11 : memref<!tpu.dma_semaphore, #tpu.memory_space<semaphore_mem>>) src(%arg8 : memref<128xf32, #tpu.memory_space<vmem>>) dst(%dma_wait3A_209 : memref<10240xf32, #tpu.memory_space<vmem_shared>>)
      } else {
      }
      %mul3A_142 = arith.constant 128 : i32
      %mul3A_143 = arith.muli %add3A_136, %mul3A_142 : i32
      %add3A_144 = arith.constant 0 : i32
      %add3A_145 = arith.addi %mul3A_143, %add3A_144 : i32
      %get3A_146 = arith.index_cast %add3A_145 : i32 to index
      %get3A_147 = tpu.vector_load %arg5[%get3A_146] {strides = array<i32>} : memref<10112xi32, #tpu.memory_space<vmem>>, vector<16xi32>,
      %swap3A_148 = arith.constant 0 : index
      %swap3A_149 = tpu.vector_load %arg7[%swap3A_148] {strides = array<i32>} : memref<128xi32, #tpu.memory_space<vmem>>, vector<16xi32>,
      tpu.vector_store %arg7[%swap3A_148], %get3A_147 {strides = array<i32>} : memref<128xi32, #tpu.memory_space<vmem>>, vector<16xi32>,
      %mul3A_150 = arith.constant 128 : i32
      %mul3A_151 = arith.muli %add3A_136, %mul3A_150 : i32
      %add3A_152 = arith.constant 16 : i32
      %add3A_153 = arith.addi %mul3A_151, %add3A_152 : i32
      %get3A_154 = arith.index_cast %add3A_153 : i32 to index
      %get3A_155 = tpu.vector_load %arg5[%get3A_154] {strides = array<i32>} : memref<10112xi32, #tpu.memory_space<vmem>>, vector<16xi32>,
      %swap3A_156 = arith.constant 16 : index
      %swap3A_157 = tpu.vector_load %arg7[%swap3A_156] {strides = array<i32>} : memref<128xi32, #tpu.memory_space<vmem>>, vector<16xi32>,
      tpu.vector_store %arg7[%swap3A_156], %get3A_155 {strides = array<i32>} : memref<128xi32, #tpu.memory_space<vmem>>, vector<16xi32>,
      %mul3A_158 = arith.constant 128 : i32
      %mul3A_159 = arith.muli %add3A_136, %mul3A_158 : i32
      %add3A_160 = arith.constant 32 : i32
      %add3A_161 = arith.addi %mul3A_159, %add3A_160 : i32
      %get3A_162 = arith.index_cast %add3A_161 : i32 to index
      %get3A_163 = tpu.vector_load %arg5[%get3A_162] {strides = array<i32>} : memref<10112xi32, #tpu.memory_space<vmem>>, vector<16xi32>,
      %swap3A_164 = arith.constant 32 : index
      %swap3A_165 = tpu.vector_load %arg7[%swap3A_164] {strides = array<i32>} : memref<128xi32, #tpu.memory_space<vmem>>, vector<16xi32>,
      tpu.vector_store %arg7[%swap3A_164], %get3A_163 {strides = array<i32>} : memref<128xi32, #tpu.memory_space<vmem>>, vector<16xi32>,
      %mul3A_166 = arith.constant 128 : i32
      %mul3A_167 = arith.muli %add3A_136, %mul3A_166 : i32
      %add3A_168 = arith.constant 48 : i32
      %add3A_169 = arith.addi %mul3A_167, %add3A_168 : i32
      %get3A_170 = arith.index_cast %add3A_169 : i32 to index
      %get3A_171 = tpu.vector_load %arg5[%get3A_170] {strides = array<i32>} : memref<10112xi32, #tpu.memory_space<vmem>>, vector<16xi32>,
      %swap3A_172 = arith.constant 48 : index
      %swap3A_173 = tpu.vector_load %arg7[%swap3A_172] {strides = array<i32>} : memref<128xi32, #tpu.memory_space<vmem>>, vector<16xi32>,
      tpu.vector_store %arg7[%swap3A_172], %get3A_171 {strides = array<i32>} : memref<128xi32, #tpu.memory_space<vmem>>, vector<16xi32>,
      %mul3A_174 = arith.constant 128 : i32
      %mul3A_175 = arith.muli %add3A_136, %mul3A_174 : i32
      %add3A_176 = arith.constant 64 : i32
      %add3A_177 = arith.addi %mul3A_175, %add3A_176 : i32
      %get3A_178 = arith.index_cast %add3A_177 : i32 to index
      %get3A_179 = tpu.vector_load %arg5[%get3A_178] {strides = array<i32>} : memref<10112xi32, #tpu.memory_space<vmem>>, vector<16xi32>,
      %swap3A_180 = arith.constant 64 : index
      %swap3A_181 = tpu.vector_load %arg7[%swap3A_180] {strides = array<i32>} : memref<128xi32, #tpu.memory_space<vmem>>, vector<16xi32>,
      tpu.vector_store %arg7[%swap3A_180], %get3A_179 {strides = array<i32>} : memref<128xi32, #tpu.memory_space<vmem>>, vector<16xi32>,
      %mul3A_182 = arith.constant 128 : i32
      %mul3A_183 = arith.muli %add3A_136, %mul3A_182 : i32
      %add3A_184 = arith.constant 80 : i32
      %add3A_185 = arith.addi %mul3A_183, %add3A_184 : i32
      %get3A_186 = arith.index_cast %add3A_185 : i32 to index
      %get3A_187 = tpu.vector_load %arg5[%get3A_186] {strides = array<i32>} : memref<10112xi32, #tpu.memory_space<vmem>>, vector<16xi32>,
      %swap3A_188 = arith.constant 80 : index
      %swap3A_189 = tpu.vector_load %arg7[%swap3A_188] {strides = array<i32>} : memref<128xi32, #tpu.memory_space<vmem>>, vector<16xi32>,
      tpu.vector_store %arg7[%swap3A_188], %get3A_187 {strides = array<i32>} : memref<128xi32, #tpu.memory_space<vmem>>, vector<16xi32>,
      %mul3A_190 = arith.constant 128 : i32
      %mul3A_191 = arith.muli %add3A_136, %mul3A_190 : i32
      %add3A_192 = arith.constant 96 : i32
      %add3A_193 = arith.addi %mul3A_191, %add3A_192 : i32
      %get3A_194 = arith.index_cast %add3A_193 : i32 to index
      %get3A_195 = tpu.vector_load %arg5[%get3A_194] {strides = array<i32>} : memref<10112xi32, #tpu.memory_space<vmem>>, vector<16xi32>,
      %swap3A_196 = arith.constant 96 : index
      %swap3A_197 = tpu.vector_load %arg7[%swap3A_196] {strides = array<i32>} : memref<128xi32, #tpu.memory_space<vmem>>, vector<16xi32>,
      tpu.vector_store %arg7[%swap3A_196], %get3A_195 {strides = array<i32>} : memref<128xi32, #tpu.memory_space<vmem>>, vector<16xi32>,
      %mul3A_198 = arith.constant 128 : i32
      %mul3A_199 = arith.muli %add3A_136, %mul3A_198 : i32
      %add3A_200 = arith.constant 112 : i32
      %add3A_201 = arith.addi %mul3A_199, %add3A_200 : i32
      %get3A_202 = arith.index_cast %add3A_201 : i32 to index
      %get3A_203 = tpu.vector_load %arg5[%get3A_202] {strides = array<i32>} : memref<10112xi32, #tpu.memory_space<vmem>>, vector<16xi32>,
      %swap3A_204 = arith.constant 112 : index
      %swap3A_205 = tpu.vector_load %arg7[%swap3A_204] {strides = array<i32>} : memref<128xi32, #tpu.memory_space<vmem>>, vector<16xi32>,
      tpu.vector_store %arg7[%swap3A_204], %get3A_203 {strides = array<i32>} : memref<128xi32, #tpu.memory_space<vmem>>, vector<16xi32>,
      %dma_start3A_206 = arith.constant 0 : i32
      %dma_start3A_207 = tpu.memref_slice %arg9[%dma_start3A_206] : memref<10240xf32, #tpu.memory_space<vmem_shared>> -> memref<10240xf32, #tpu.memory_space<vmem_shared>>
      tpu.enqueue_indirect_dma source(%arg8 : memref<128xf32, #tpu.memory_space<vmem>>) target(%dma_start3A_207 : memref<10240xf32, #tpu.memory_space<vmem_shared>>) offsets(%arg7 : memref<128xi32, #tpu.memory_space<vmem>>) semaphore(%arg11 : memref<!tpu.dma_semaphore, #tpu.memory_space<semaphore_mem>>) {add = true}
    }
    %scan3A_46 = arith.constant 39 : i32
    %lt3A_47 = arith.constant 4 : i32
    %lt3A_48 = arith.cmpi slt, %add3A, %lt3A_47 : i32
    %convert_element_type3A_49 = arith.extui %lt3A_48 : i1 to i32
    %cond3A_50 = arith.constant 0 : i32
    %cond3A_51 = arith.cmpi ne, %convert_element_type3A_49, %cond3A_50 : i32
    scf.if %cond3A_51 {
      %dma_wait3A_60 = arith.constant 0 : i32
      %dma_wait3A_61 = tpu.memref_slice %arg9[%dma_wait3A_60] : memref<10240xf32, #tpu.memory_space<vmem_shared>> -> memref<10240xf32, #tpu.memory_space<vmem_shared>>
      tpu.wait_indirect_dma semaphore(%arg10 : memref<!tpu.dma_semaphore, #tpu.memory_space<semaphore_mem>>) src(%arg8 : memref<128xf32, #tpu.memory_space<vmem>>) dst(%dma_wait3A_61 : memref<10240xf32, #tpu.memory_space<vmem_shared>>)
      %get3A = arith.constant 9984 : index
      %get3A_62 = tpu.vector_load %arg5[%get3A] {strides = array<i32>} : memref<10112xi32, #tpu.memory_space<vmem>>, vector<16xi32>,
      %swap3A_63 = arith.constant 0 : index
      %swap3A_64 = tpu.vector_load %arg6[%swap3A_63] {strides = array<i32>} : memref<128xi32, #tpu.memory_space<vmem>>, vector<16xi32>,
      tpu.vector_store %arg6[%swap3A_63], %get3A_62 {strides = array<i32>} : memref<128xi32, #tpu.memory_space<vmem>>, vector<16xi32>,
      %get3A_65 = arith.constant 10000 : index
      %get3A_66 = tpu.vector_load %arg5[%get3A_65] {strides = array<i32>} : memref<10112xi32, #tpu.memory_space<vmem>>, vector<16xi32>,
      %swap3A_67 = arith.constant 16 : index
      %swap3A_68 = tpu.vector_load %arg6[%swap3A_67] {strides = array<i32>} : memref<128xi32, #tpu.memory_space<vmem>>, vector<16xi32>,
      tpu.vector_store %arg6[%swap3A_67], %get3A_66 {strides = array<i32>} : memref<128xi32, #tpu.memory_space<vmem>>, vector<16xi32>,
      %get3A_69 = arith.constant 10016 : index
      %get3A_70 = tpu.vector_load %arg5[%get3A_69] {strides = array<i32>} : memref<10112xi32, #tpu.memory_space<vmem>>, vector<16xi32>,
      %swap3A_71 = arith.constant 32 : index
      %swap3A_72 = tpu.vector_load %arg6[%swap3A_71] {strides = array<i32>} : memref<128xi32, #tpu.memory_space<vmem>>, vector<16xi32>,
      tpu.vector_store %arg6[%swap3A_71], %get3A_70 {strides = array<i32>} : memref<128xi32, #tpu.memory_space<vmem>>, vector<16xi32>,
      %get3A_73 = arith.constant 10032 : index
      %get3A_74 = tpu.vector_load %arg5[%get3A_73] {strides = array<i32>} : memref<10112xi32, #tpu.memory_space<vmem>>, vector<16xi32>,
      %swap3A_75 = arith.constant 48 : index
      %swap3A_76 = tpu.vector_load %arg6[%swap3A_75] {strides = array<i32>} : memref<128xi32, #tpu.memory_space<vmem>>, vector<16xi32>,
      tpu.vector_store %arg6[%swap3A_75], %get3A_74 {strides = array<i32>} : memref<128xi32, #tpu.memory_space<vmem>>, vector<16xi32>,
      %get3A_77 = arith.constant 10048 : index
      %get3A_78 = tpu.vector_load %arg5[%get3A_77] {strides = array<i32>} : memref<10112xi32, #tpu.memory_space<vmem>>, vector<16xi32>,
      %swap3A_79 = arith.constant 64 : index
      %swap3A_80 = tpu.vector_load %arg6[%swap3A_79] {strides = array<i32>} : memref<128xi32, #tpu.memory_space<vmem>>, vector<16xi32>,
      tpu.vector_store %arg6[%swap3A_79], %get3A_78 {strides = array<i32>} : memref<128xi32, #tpu.memory_space<vmem>>, vector<16xi32>,
      %get3A_81 = arith.constant 10064 : index
      %get3A_82 = tpu.vector_load %arg5[%get3A_81] {strides = array<i32>} : memref<10112xi32, #tpu.memory_space<vmem>>, vector<16xi32>,
      %swap3A_83 = arith.constant 80 : index
      %swap3A_84 = tpu.vector_load %arg6[%swap3A_83] {strides = array<i32>} : memref<128xi32, #tpu.memory_space<vmem>>, vector<16xi32>,
      tpu.vector_store %arg6[%swap3A_83], %get3A_82 {strides = array<i32>} : memref<128xi32, #tpu.memory_space<vmem>>, vector<16xi32>,
      %get3A_85 = arith.constant 10080 : index
      %get3A_86 = tpu.vector_load %arg5[%get3A_85] {strides = array<i32>} : memref<10112xi32, #tpu.memory_space<vmem>>, vector<16xi32>,
      %swap3A_87 = arith.constant 96 : index
      %swap3A_88 = tpu.vector_load %arg6[%swap3A_87] {strides = array<i32>} : memref<128xi32, #tpu.memory_space<vmem>>, vector<16xi32>,
      tpu.vector_store %arg6[%swap3A_87], %get3A_86 {strides = array<i32>} : memref<128xi32, #tpu.memory_space<vmem>>, vector<16xi32>,
      %get3A_89 = arith.constant 10096 : index
      %get3A_90 = tpu.vector_load %arg5[%get3A_89] {strides = array<i32>} : memref<10112xi32, #tpu.memory_space<vmem>>, vector<16xi32>,
      %swap3A_91 = arith.constant 112 : index
      %swap3A_92 = tpu.vector_load %arg6[%swap3A_91] {strides = array<i32>} : memref<128xi32, #tpu.memory_space<vmem>>, vector<16xi32>,
      tpu.vector_store %arg6[%swap3A_91], %get3A_90 {strides = array<i32>} : memref<128xi32, #tpu.memory_space<vmem>>, vector<16xi32>,
      %dma_start3A = arith.constant 0 : i32
      %dma_start3A_93 = tpu.memref_slice %arg9[%dma_start3A] : memref<10240xf32, #tpu.memory_space<vmem_shared>> -> memref<10240xf32, #tpu.memory_space<vmem_shared>>
      tpu.enqueue_indirect_dma source(%arg8 : memref<128xf32, #tpu.memory_space<vmem>>) target(%dma_start3A_93 : memref<10240xf32, #tpu.memory_space<vmem_shared>>) offsets(%arg6 : memref<128xi32, #tpu.memory_space<vmem>>) semaphore(%arg10 : memref<!tpu.dma_semaphore, #tpu.memory_space<semaphore_mem>>) {add = true}
    } else {
    }
    %dma_wait3A = arith.constant 0 : i32
    %dma_wait3A_52 = tpu.memref_slice %arg9[%dma_wait3A] : memref<10240xf32, #tpu.memory_space<vmem_shared>> -> memref<10240xf32, #tpu.memory_space<vmem_shared>>
    tpu.wait_indirect_dma semaphore(%arg10 : memref<!tpu.dma_semaphore, #tpu.memory_space<semaphore_mem>>) src(%arg8 : memref<128xf32, #tpu.memory_space<vmem>>) dst(%dma_wait3A_52 : memref<10240xf32, #tpu.memory_space<vmem_shared>>)
    %dma_wait3A_53 = arith.constant 0 : i32
    %dma_wait3A_54 = tpu.memref_slice %arg9[%dma_wait3A_53] : memref<10240xf32, #tpu.memory_space<vmem_shared>> -> memref<10240xf32, #tpu.memory_space<vmem_shared>>
    tpu.wait_indirect_dma semaphore(%arg11 : memref<!tpu.dma_semaphore, #tpu.memory_space<semaphore_mem>>) src(%arg8 : memref<128xf32, #tpu.memory_space<vmem>>) dst(%dma_wait3A_54 : memref<10240xf32, #tpu.memory_space<vmem_shared>>)
    %barrier3A_55 = arith.constant 0 : index
    tpu.barrier barrier_id(%barrier3A_55)
    %mul3A_56 = arith.constant 640 : i32
    %mul3A_57 = arith.muli %arg1, %mul3A_56 : i32
    %mul3A_58 = arith.constant 640 : i32
    %mul3A_59 = arith.muli %arg1, %mul3A_58 : i32
    "tpu.region"() ({
      %run_scoped3A = tpu.sem_alloc : memref<!tpu.dma_semaphore, #tpu.memory_space<semaphore_mem>>
      %dma_start3A = arith.constant 0 : i32
      %dma_start3A_60 = tpu.memref_slice %arg4[%arg0, %dma_start3A] : memref<2x10240xf32, #tpu.memory_space<hbm>> -> memref<1x10240xf32, #tpu.memory_space<hbm>>
      %dma_start3A_61 = tpu.memref_squeeze %dma_start3A_60 : memref<1x10240xf32, #tpu.memory_space<hbm>> -> memref<10240xf32, #tpu.memory_space<hbm>>
      %dma_start3A_62 = tpu.memref_slice %dma_start3A_61[%mul3A_59] : memref<10240xf32, #tpu.memory_space<hbm>> -> memref<640xf32, #tpu.memory_space<hbm>>
      %dma_start3A_63 = tpu.memref_slice %arg9[%mul3A_57] : memref<10240xf32, #tpu.memory_space<vmem_shared>> -> memref<640xf32, #tpu.memory_space<vmem_shared>>
      tpu.enqueue_dma source(%dma_start3A_63 : memref<640xf32, #tpu.memory_space<vmem_shared>>) target(%dma_start3A_62 : memref<640xf32, #tpu.memory_space<hbm>>) target_semaphore(%run_scoped3A : memref<!tpu.dma_semaphore, #tpu.memory_space<semaphore_mem>>)
      %dma_wait3A_64 = arith.constant 0 : i32
      %dma_wait3A_65 = tpu.memref_slice %arg4[%arg0, %dma_wait3A_64] : memref<2x10240xf32, #tpu.memory_space<hbm>> -> memref<1x10240xf32, #tpu.memory_space<hbm>>
      %dma_wait3A_66 = tpu.memref_squeeze %dma_wait3A_65 : memref<1x10240xf32, #tpu.memory_space<hbm>> -> memref<10240xf32, #tpu.memory_space<hbm>>
      %dma_wait3A_67 = tpu.memref_slice %dma_wait3A_66[%mul3A_59] : memref<10240xf32, #tpu.memory_space<hbm>> -> memref<640xf32, #tpu.memory_space<hbm>>
      %dma_wait3A_68 = tpu.memref_slice %arg9[%mul3A_57] : memref<10240xf32, #tpu.memory_space<vmem_shared>> -> memref<640xf32, #tpu.memory_space<vmem_shared>>
      tpu.wait_dma2 semaphore(%run_scoped3A : memref<!tpu.dma_semaphore, #tpu.memory_space<semaphore_mem>>) src(%dma_wait3A_68 : memref<640xf32, #tpu.memory_space<vmem_shared>>) dst(%dma_wait3A_67 : memref<640xf32, #tpu.memory_space<hbm>>)
      tpu.yield
    }) : () -> ()
    return
  }
}

#map = affine_map<(d0, d1) -> (0)>
#map1 = affine_map<(d0, d1) -> (0, 0)>
#map2 = affine_map<(d0, d1) -> (0, 0, 0)>
module attributes {stable_mosaic.version = 14 : i64} {
  func.func @_sc_edge_pass(%arg0: i32, %arg1: i32, %arg2: memref<320000xi32, #tpu.memory_space<hbm>>, %arg3: memref<320000xi32, #tpu.memory_space<hbm>>, %arg4: memref<10000x128xf32, #tpu.memory_space<hbm>>, %arg5: memref<10000xf32, #tpu.memory_space<hbm>>, %arg6: memref<10240x128xf32, #tpu.memory_space<hbm>>, %arg7: memref<10240xf32, #tpu.memory_space<hbm>>, %arg8: memref<2x10240x128xf32, #tpu.memory_space<hbm>>, %arg9: memref<2x10240xf32, #tpu.memory_space<hbm>>, %arg10: memref<128xi32, #tpu.memory_space<vmem>>, %arg11: memref<128xi32, #tpu.memory_space<vmem>>, %arg12: memref<128xi32, #tpu.memory_space<vmem>>, %arg13: memref<128xi32, #tpu.memory_space<vmem>>, %arg14: memref<128x128xf32, #tpu.memory_space<vmem>>, %arg15: memref<128x128xf32, #tpu.memory_space<vmem>>, %arg16: memref<128xf32, #tpu.memory_space<vmem>>, %arg17: memref<128xf32, #tpu.memory_space<vmem>>, %arg18: memref<10000xf32, #tpu.memory_space<vmem>>, %arg19: memref<10240x128xf32, #tpu.memory_space<vmem_shared>>, %arg20: memref<10240xf32, #tpu.memory_space<vmem_shared>>, %arg21: memref<!tpu.dma_semaphore, #tpu.memory_space<semaphore_mem>>, %arg22: memref<!tpu.dma_semaphore, #tpu.memory_space<semaphore_mem>>, %arg23: memref<!tpu.dma_semaphore, #tpu.memory_space<semaphore_mem>>, %arg24: memref<!tpu.dma_semaphore, #tpu.memory_space<semaphore_mem>>, %arg25: memref<!tpu.dma_semaphore, #tpu.memory_space<semaphore_mem>>, %arg26: memref<!tpu.dma_semaphore, #tpu.memory_space<semaphore_mem>>, %arg27: memref<!tpu.dma_semaphore, #tpu.memory_space<semaphore_mem>>, %arg28: memref<!tpu.dma_semaphore, #tpu.memory_space<semaphore_mem>>) attributes {dimension_semantics = [#tpu.dimension_semantics<core_parallel>, #tpu.dimension_semantics<subcore_parallel>], iteration_bounds = array<i64: 2, 16>, scalar_prefetch = 0 : i64, scratch_operands = 19 : i64, tpu.core_type = #tpu.core_type<sc_vector_subcore>, window_params = [{transform_indices = #map}, {transform_indices = #map}, {transform_indices = #map1}, {transform_indices = #map}, {transform_indices = #map1}, {transform_indices = #map}, {transform_indices = #map2}, {transform_indices = #map1}]} {
    %mul3A = arith.constant 2 : i32
    %mul3A_0 = arith.muli %arg1, %mul3A : i32
    %add3A = arith.addi %mul3A_0, %arg0 : i32
    %lt3A = arith.constant 2 : i32
    %lt3A_1 = arith.cmpi slt, %add3A, %lt3A : i32
    %jit3A = arith.constant 80 : i32
    %jit3A_2 = arith.constant 78 : i32
    %select_n3A = arith.select %lt3A_1, %jit3A, %jit3A_2 : i32
    %mul3A_3 = arith.constant 78 : i32
    %mul3A_4 = arith.muli %mul3A_3, %add3A : i32
    %min3A = arith.constant 2 : i32
    %min3A_5 = arith.minsi %add3A, %min3A : i32
    %mul3A_6 = arith.constant 2 : i32
    %mul3A_7 = arith.muli %mul3A_6, %min3A_5 : i32
    %add3A_8 = arith.addi %mul3A_4, %mul3A_7 : i32
    %mul3A_9 = arith.constant 128 : i32
    %mul3A_10 = arith.muli %add3A_8, %mul3A_9 : i32
    %mul3A_11 = arith.constant 640 : i32
    %mul3A_12 = arith.muli %arg1, %mul3A_11 : i32
    %mul3A_13 = arith.constant 640 : i32
    %mul3A_14 = arith.muli %arg1, %mul3A_13 : i32
    "tpu.region"() ({
      %run_scoped3A = tpu.sem_alloc : memref<!tpu.dma_semaphore, #tpu.memory_space<semaphore_mem>>
      %dma_start3A_50 = arith.constant 0 : i32
      %dma_start3A_51 = tpu.memref_slice %arg19[%mul3A_14, %dma_start3A_50] : memref<10240x128xf32, #tpu.memory_space<vmem_shared>> -> memref<640x128xf32, #tpu.memory_space<vmem_shared>>
      %dma_start3A_52 = arith.constant 0 : i32
      %dma_start3A_53 = tpu.memref_slice %arg6[%mul3A_12, %dma_start3A_52] : memref<10240x128xf32, #tpu.memory_space<hbm>> -> memref<640x128xf32, #tpu.memory_space<hbm>>
      tpu.enqueue_dma source(%dma_start3A_53 : memref<640x128xf32, #tpu.memory_space<hbm>>) target(%dma_start3A_51 : memref<640x128xf32, #tpu.memory_space<vmem_shared>>) target_semaphore(%run_scoped3A : memref<!tpu.dma_semaphore, #tpu.memory_space<semaphore_mem>>)
      %dma_wait3A_54 = arith.constant 0 : i32
      %dma_wait3A_55 = tpu.memref_slice %arg19[%mul3A_14, %dma_wait3A_54] : memref<10240x128xf32, #tpu.memory_space<vmem_shared>> -> memref<640x128xf32, #tpu.memory_space<vmem_shared>>
      %dma_wait3A_56 = arith.constant 0 : i32
      %dma_wait3A_57 = tpu.memref_slice %arg6[%mul3A_12, %dma_wait3A_56] : memref<10240x128xf32, #tpu.memory_space<hbm>> -> memref<640x128xf32, #tpu.memory_space<hbm>>
      tpu.wait_dma2 semaphore(%run_scoped3A : memref<!tpu.dma_semaphore, #tpu.memory_space<semaphore_mem>>) src(%dma_wait3A_57 : memref<640x128xf32, #tpu.memory_space<hbm>>) dst(%dma_wait3A_55 : memref<640x128xf32, #tpu.memory_space<vmem_shared>>)
      tpu.yield
    }) : () -> ()
    %mul3A_15 = arith.constant 640 : i32
    %mul3A_16 = arith.muli %arg1, %mul3A_15 : i32
    %mul3A_17 = arith.constant 640 : i32
    %mul3A_18 = arith.muli %arg1, %mul3A_17 : i32
    "tpu.region"() ({
      %run_scoped3A = tpu.sem_alloc : memref<!tpu.dma_semaphore, #tpu.memory_space<semaphore_mem>>
      %dma_start3A_50 = tpu.memref_slice %arg20[%mul3A_18] : memref<10240xf32, #tpu.memory_space<vmem_shared>> -> memref<640xf32, #tpu.memory_space<vmem_shared>>
      %dma_start3A_51 = tpu.memref_slice %arg7[%mul3A_16] : memref<10240xf32, #tpu.memory_space<hbm>> -> memref<640xf32, #tpu.memory_space<hbm>>
      tpu.enqueue_dma source(%dma_start3A_51 : memref<640xf32, #tpu.memory_space<hbm>>) target(%dma_start3A_50 : memref<640xf32, #tpu.memory_space<vmem_shared>>) target_semaphore(%run_scoped3A : memref<!tpu.dma_semaphore, #tpu.memory_space<semaphore_mem>>)
      %dma_wait3A_52 = tpu.memref_slice %arg20[%mul3A_18] : memref<10240xf32, #tpu.memory_space<vmem_shared>> -> memref<640xf32, #tpu.memory_space<vmem_shared>>
      %dma_wait3A_53 = tpu.memref_slice %arg7[%mul3A_16] : memref<10240xf32, #tpu.memory_space<hbm>> -> memref<640xf32, #tpu.memory_space<hbm>>
      tpu.wait_dma2 semaphore(%run_scoped3A : memref<!tpu.dma_semaphore, #tpu.memory_space<semaphore_mem>>) src(%dma_wait3A_53 : memref<640xf32, #tpu.memory_space<hbm>>) dst(%dma_wait3A_52 : memref<640xf32, #tpu.memory_space<vmem_shared>>)
      tpu.yield
    }) : () -> ()
    "tpu.region"() ({
      %run_scoped3A = tpu.sem_alloc : memref<!tpu.dma_semaphore, #tpu.memory_space<semaphore_mem>>
      tpu.enqueue_dma source(%arg5 : memref<10000xf32, #tpu.memory_space<hbm>>) target(%arg18 : memref<10000xf32, #tpu.memory_space<vmem>>) target_semaphore(%run_scoped3A : memref<!tpu.dma_semaphore, #tpu.memory_space<semaphore_mem>>)
      tpu.wait_dma2 semaphore(%run_scoped3A : memref<!tpu.dma_semaphore, #tpu.memory_space<semaphore_mem>>) src(%arg5 : memref<10000xf32, #tpu.memory_space<hbm>>) dst(%arg18 : memref<10000xf32, #tpu.memory_space<vmem>>)
      tpu.yield
    }) : () -> ()
    %barrier3A = arith.constant 0 : index
    tpu.barrier barrier_id(%barrier3A)
    "tpu.region"() ({
      %run_scoped3A = tpu.sem_alloc : memref<!tpu.dma_semaphore, #tpu.memory_space<semaphore_mem>>
      %dma_start3A_50 = tpu.memref_slice %arg2[%mul3A_10] : memref<320000xi32, #tpu.memory_space<hbm>> -> memref<128xi32, #tpu.memory_space<hbm>>
      %dma_start3A_51 = tpu.memref_slice %arg2[%mul3A_10] : memref<320000xi32, #tpu.memory_space<hbm>> -> memref<128xi32, #tpu.memory_space<hbm>>
      tpu.enqueue_dma source(%dma_start3A_51 : memref<128xi32, #tpu.memory_space<hbm>>) target(%arg10 : memref<128xi32, #tpu.memory_space<vmem>>) target_semaphore(%run_scoped3A : memref<!tpu.dma_semaphore, #tpu.memory_space<semaphore_mem>>)
      %dma_wait3A_52 = tpu.memref_slice %arg2[%mul3A_10] : memref<320000xi32, #tpu.memory_space<hbm>> -> memref<128xi32, #tpu.memory_space<hbm>>
      %dma_wait3A_53 = tpu.memref_slice %arg2[%mul3A_10] : memref<320000xi32, #tpu.memory_space<hbm>> -> memref<128xi32, #tpu.memory_space<hbm>>
      tpu.wait_dma2 semaphore(%run_scoped3A : memref<!tpu.dma_semaphore, #tpu.memory_space<semaphore_mem>>) src(%dma_wait3A_53 : memref<128xi32, #tpu.memory_space<hbm>>) dst(%arg10 : memref<128xi32, #tpu.memory_space<vmem>>)
      tpu.yield
    }) : () -> ()
    "tpu.region"() ({
      %run_scoped3A = tpu.sem_alloc : memref<!tpu.dma_semaphore, #tpu.memory_space<semaphore_mem>>
      %dma_start3A_50 = tpu.memref_slice %arg3[%mul3A_10] : memref<320000xi32, #tpu.memory_space<hbm>> -> memref<128xi32, #tpu.memory_space<hbm>>
      %dma_start3A_51 = tpu.memref_slice %arg3[%mul3A_10] : memref<320000xi32, #tpu.memory_space<hbm>> -> memref<128xi32, #tpu.memory_space<hbm>>
      tpu.enqueue_dma source(%dma_start3A_51 : memref<128xi32, #tpu.memory_space<hbm>>) target(%arg12 : memref<128xi32, #tpu.memory_space<vmem>>) target_semaphore(%run_scoped3A : memref<!tpu.dma_semaphore, #tpu.memory_space<semaphore_mem>>)
      %dma_wait3A_52 = tpu.memref_slice %arg3[%mul3A_10] : memref<320000xi32, #tpu.memory_space<hbm>> -> memref<128xi32, #tpu.memory_space<hbm>>
      %dma_wait3A_53 = tpu.memref_slice %arg3[%mul3A_10] : memref<320000xi32, #tpu.memory_space<hbm>> -> memref<128xi32, #tpu.memory_space<hbm>>
      tpu.wait_dma2 semaphore(%run_scoped3A : memref<!tpu.dma_semaphore, #tpu.memory_space<semaphore_mem>>) src(%dma_wait3A_53 : memref<128xi32, #tpu.memory_space<hbm>>) dst(%arg12 : memref<128xi32, #tpu.memory_space<vmem>>)
      tpu.yield
    }) : () -> ()
    %dma_start3A = arith.constant 0 : i32
    %dma_start3A_19 = arith.constant 0 : i32
    %dma_start3A_20 = tpu.memref_slice %arg4[%dma_start3A, %dma_start3A_19] : memref<10000x128xf32, #tpu.memory_space<hbm>> -> memref<10000x128xf32, #tpu.memory_space<hbm>>
    tpu.enqueue_indirect_dma source(%dma_start3A_20 : memref<10000x128xf32, #tpu.memory_space<hbm>>) target(%arg14 : memref<128x128xf32, #tpu.memory_space<vmem>>) offsets(%arg10 : memref<128xi32, #tpu.memory_space<vmem>>) semaphore(%arg21 : memref<!tpu.dma_semaphore, #tpu.memory_space<semaphore_mem>>)
    %sub3A = arith.constant 0 : i32
    %sub3A_21 = arith.subi %select_n3A, %sub3A : i32
    %sub3A_22 = arith.constant 2 : i32
    %sub3A_23 = arith.constant 1 : i32
    %sub3A_24 = arith.subi %sub3A_22, %sub3A_23 : i32
    %add3A_25 = arith.addi %sub3A_21, %sub3A_24 : i32
    %div3A = arith.constant 2 : i32
    %div3A_26 = arith.divsi %add3A_25, %div3A : i32
    %while3A = arith.constant 2 : i32
    %while3A_27 = arith.constant 0 : i32
    %while3A_28 = arith.constant 0 : i32
    %while3A_29 = arith.subi %div3A_26, %while3A_28 : i32
    %while3A_30 = arith.addi %while3A_28, %while3A_29 : i32
    %while3A_31 = arith.constant 1 : i32
    %while3A_32 = arith.divsi %while3A_29, %while3A_31 : i32
    %while3A_33 = arith.muli %while3A_32, %while3A_31 : i32
    %while3A_34 = arith.addi %while3A_28, %while3A_33 : i32
    %while3A_35 = arith.constant 1 : i32
    scf.for %while3A_50 = %while3A_28 to %while3A_34 step %while3A_35  : i32 {
      %mul3A_51 = arith.muli %while3A_50, %while3A : i32
      %add3A_52 = arith.addi %while3A_27, %mul3A_51 : i32
      %add3A_53 = arith.constant 0 : i32
      %add3A_54 = arith.addi %add3A_52, %add3A_53 : i32
      %gt3A = arith.constant 0 : i32
      %gt3A_55 = arith.cmpi sgt, %add3A_54, %gt3A : i32
      %convert_element_type3A = arith.extui %gt3A_55 : i1 to i32
      %cond3A = arith.constant 0 : i32
      %cond3A_56 = arith.cmpi ne, %convert_element_type3A, %cond3A : i32
      scf.if %cond3A_56 {
        %dma_wait3A_181 = arith.constant 0 : i32
        %dma_wait3A_182 = arith.constant 0 : i32
        %dma_wait3A_183 = tpu.memref_slice %arg19[%dma_wait3A_181, %dma_wait3A_182] : memref<10240x128xf32, #tpu.memory_space<vmem_shared>> -> memref<10240x128xf32, #tpu.memory_space<vmem_shared>>
        tpu.wait_indirect_dma semaphore(%arg24 : memref<!tpu.dma_semaphore, #tpu.memory_space<semaphore_mem>>) src(%arg15 : memref<128x128xf32, #tpu.memory_space<vmem>>) dst(%dma_wait3A_183 : memref<10240x128xf32, #tpu.memory_space<vmem_shared>>)
        %dma_wait3A_184 = arith.constant 0 : i32
        %dma_wait3A_185 = tpu.memref_slice %arg20[%dma_wait3A_184] : memref<10240xf32, #tpu.memory_space<vmem_shared>> -> memref<10240xf32, #tpu.memory_space<vmem_shared>>
        tpu.wait_indirect_dma semaphore(%arg28 : memref<!tpu.dma_semaphore, #tpu.memory_space<semaphore_mem>>) src(%arg17 : memref<128xf32, #tpu.memory_space<vmem>>) dst(%dma_wait3A_185 : memref<10240xf32, #tpu.memory_space<vmem_shared>>)
      } else {
      }
      %add3A_57 = arith.constant 1 : i32
      %add3A_58 = arith.addi %add3A_54, %add3A_57 : i32
      %lt3A_59 = arith.cmpi slt, %add3A_58, %select_n3A : i32
      %convert_element_type3A_60 = arith.extui %lt3A_59 : i1 to i32
      %cond3A_61 = arith.constant 0 : i32
      %cond3A_62 = arith.cmpi ne, %convert_element_type3A_60, %cond3A_61 : i32
      scf.if %cond3A_62 {
        %add3A_181 = arith.constant 1 : i32
        %add3A_182 = arith.addi %add3A_54, %add3A_181 : i32
        %mul3A_183 = arith.constant 128 : i32
        %mul3A_184 = arith.muli %add3A_182, %mul3A_183 : i32
        %add3A_185 = arith.addi %mul3A_10, %mul3A_184 : i32
        %dma_start3A_186 = tpu.memref_slice %arg2[%add3A_185] : memref<320000xi32, #tpu.memory_space<hbm>> -> memref<128xi32, #tpu.memory_space<hbm>>
        %dma_start3A_187 = tpu.memref_slice %arg2[%add3A_185] : memref<320000xi32, #tpu.memory_space<hbm>> -> memref<128xi32, #tpu.memory_space<hbm>>
        tpu.enqueue_dma source(%dma_start3A_187 : memref<128xi32, #tpu.memory_space<hbm>>) target(%arg11 : memref<128xi32, #tpu.memory_space<vmem>>) target_semaphore(%arg26 : memref<!tpu.dma_semaphore, #tpu.memory_space<semaphore_mem>>)
        %dma_start3A_188 = tpu.memref_slice %arg3[%add3A_185] : memref<320000xi32, #tpu.memory_space<hbm>> -> memref<128xi32, #tpu.memory_space<hbm>>
        %dma_start3A_189 = tpu.memref_slice %arg3[%add3A_185] : memref<320000xi32, #tpu.memory_space<hbm>> -> memref<128xi32, #tpu.memory_space<hbm>>
        tpu.enqueue_dma source(%dma_start3A_189 : memref<128xi32, #tpu.memory_space<hbm>>) target(%arg13 : memref<128xi32, #tpu.memory_space<vmem>>) target_semaphore(%arg26 : memref<!tpu.dma_semaphore, #tpu.memory_space<semaphore_mem>>)
      } else {
      }
      %dma_wait3A_63 = arith.constant 0 : i32
      %dma_wait3A_64 = arith.constant 0 : i32
      %dma_wait3A_65 = tpu.memref_slice %arg4[%dma_wait3A_63, %dma_wait3A_64] : memref<10000x128xf32, #tpu.memory_space<hbm>> -> memref<10000x128xf32, #tpu.memory_space<hbm>>
      tpu.wait_indirect_dma semaphore(%arg21 : memref<!tpu.dma_semaphore, #tpu.memory_space<semaphore_mem>>) src(%dma_wait3A_65 : memref<10000x128xf32, #tpu.memory_space<hbm>>) dst(%arg14 : memref<128x128xf32, #tpu.memory_space<vmem>>)
      %dma_start3A_66 = arith.constant 0 : i32
      %dma_start3A_67 = arith.constant 0 : i32
      %dma_start3A_68 = tpu.memref_slice %arg19[%dma_start3A_66, %dma_start3A_67] : memref<10240x128xf32, #tpu.memory_space<vmem_shared>> -> memref<10240x128xf32, #tpu.memory_space<vmem_shared>>
      tpu.enqueue_indirect_dma source(%arg14 : memref<128x128xf32, #tpu.memory_space<vmem>>) target(%dma_start3A_68 : memref<10240x128xf32, #tpu.memory_space<vmem_shared>>) offsets(%arg12 : memref<128xi32, #tpu.memory_space<vmem>>) semaphore(%arg23 : memref<!tpu.dma_semaphore, #tpu.memory_space<semaphore_mem>>) {add = true}
      %add3A_69 = arith.constant 1 : i32
      %add3A_70 = arith.addi %add3A_54, %add3A_69 : i32
      %lt3A_71 = arith.cmpi slt, %add3A_70, %select_n3A : i32
      %convert_element_type3A_72 = arith.extui %lt3A_71 : i1 to i32
      %cond3A_73 = arith.constant 0 : i32
      %cond3A_74 = arith.cmpi ne, %convert_element_type3A_72, %cond3A_73 : i32
      scf.if %cond3A_74 {
        %dma_wait3A_181 = arith.constant 0 : i32
        %dma_wait3A_182 = tpu.memref_slice %arg2[%dma_wait3A_181] : memref<320000xi32, #tpu.memory_space<hbm>> -> memref<128xi32, #tpu.memory_space<hbm>>
        %dma_wait3A_183 = arith.constant 0 : i32
        %dma_wait3A_184 = tpu.memref_slice %arg2[%dma_wait3A_183] : memref<320000xi32, #tpu.memory_space<hbm>> -> memref<128xi32, #tpu.memory_space<hbm>>
        tpu.wait_dma2 semaphore(%arg26 : memref<!tpu.dma_semaphore, #tpu.memory_space<semaphore_mem>>) src(%dma_wait3A_184 : memref<128xi32, #tpu.memory_space<hbm>>) dst(%arg11 : memref<128xi32, #tpu.memory_space<vmem>>)
        %dma_wait3A_185 = arith.constant 0 : i32
        %dma_wait3A_186 = tpu.memref_slice %arg3[%dma_wait3A_185] : memref<320000xi32, #tpu.memory_space<hbm>> -> memref<128xi32, #tpu.memory_space<hbm>>
        %dma_wait3A_187 = arith.constant 0 : i32
        %dma_wait3A_188 = tpu.memref_slice %arg3[%dma_wait3A_187] : memref<320000xi32, #tpu.memory_space<hbm>> -> memref<128xi32, #tpu.memory_space<hbm>>
        tpu.wait_dma2 semaphore(%arg26 : memref<!tpu.dma_semaphore, #tpu.memory_space<semaphore_mem>>) src(%dma_wait3A_188 : memref<128xi32, #tpu.memory_space<hbm>>) dst(%arg13 : memref<128xi32, #tpu.memory_space<vmem>>)
        %dma_start3A_189 = arith.constant 0 : i32
        %dma_start3A_190 = arith.constant 0 : i32
        %dma_start3A_191 = tpu.memref_slice %arg4[%dma_start3A_189, %dma_start3A_190] : memref<10000x128xf32, #tpu.memory_space<hbm>> -> memref<10000x128xf32, #tpu.memory_space<hbm>>
        tpu.enqueue_indirect_dma source(%dma_start3A_191 : memref<10000x128xf32, #tpu.memory_space<hbm>>) target(%arg15 : memref<128x128xf32, #tpu.memory_space<vmem>>) offsets(%arg11 : memref<128xi32, #tpu.memory_space<vmem>>) semaphore(%arg22 : memref<!tpu.dma_semaphore, #tpu.memory_space<semaphore_mem>>)
      } else {
      }
      %get3A = arith.constant 0 : index
      %get3A_75 = tpu.vector_load %arg12[%get3A] {strides = array<i32>} : memref<128xi32, #tpu.memory_space<vmem>>, vector<16xi32>,
      %gather3A = tpu.vector_load_idx %arg18[%get3A_75] : memref<10000xf32, #tpu.memory_space<vmem>>[vector<16xi32>], vector<16xf32>,
      %swap3A = arith.constant 0 : index
      %swap3A_76 = tpu.vector_load %arg16[%swap3A] {strides = array<i32>} : memref<128xf32, #tpu.memory_space<vmem>>, vector<16xf32>,
      tpu.vector_store %arg16[%swap3A], %gather3A {strides = array<i32>} : memref<128xf32, #tpu.memory_space<vmem>>, vector<16xf32>,
      %get3A_77 = arith.constant 16 : index
      %get3A_78 = tpu.vector_load %arg12[%get3A_77] {strides = array<i32>} : memref<128xi32, #tpu.memory_space<vmem>>, vector<16xi32>,
      %gather3A_79 = tpu.vector_load_idx %arg18[%get3A_78] : memref<10000xf32, #tpu.memory_space<vmem>>[vector<16xi32>], vector<16xf32>,
      %swap3A_80 = arith.constant 16 : index
      %swap3A_81 = tpu.vector_load %arg16[%swap3A_80] {strides = array<i32>} : memref<128xf32, #tpu.memory_space<vmem>>, vector<16xf32>,
      tpu.vector_store %arg16[%swap3A_80], %gather3A_79 {strides = array<i32>} : memref<128xf32, #tpu.memory_space<vmem>>, vector<16xf32>,
      %get3A_82 = arith.constant 32 : index
      %get3A_83 = tpu.vector_load %arg12[%get3A_82] {strides = array<i32>} : memref<128xi32, #tpu.memory_space<vmem>>, vector<16xi32>,
      %gather3A_84 = tpu.vector_load_idx %arg18[%get3A_83] : memref<10000xf32, #tpu.memory_space<vmem>>[vector<16xi32>], vector<16xf32>,
      %swap3A_85 = arith.constant 32 : index
      %swap3A_86 = tpu.vector_load %arg16[%swap3A_85] {strides = array<i32>} : memref<128xf32, #tpu.memory_space<vmem>>, vector<16xf32>,
      tpu.vector_store %arg16[%swap3A_85], %gather3A_84 {strides = array<i32>} : memref<128xf32, #tpu.memory_space<vmem>>, vector<16xf32>,
      %get3A_87 = arith.constant 48 : index
      %get3A_88 = tpu.vector_load %arg12[%get3A_87] {strides = array<i32>} : memref<128xi32, #tpu.memory_space<vmem>>, vector<16xi32>,
      %gather3A_89 = tpu.vector_load_idx %arg18[%get3A_88] : memref<10000xf32, #tpu.memory_space<vmem>>[vector<16xi32>], vector<16xf32>,
      %swap3A_90 = arith.constant 48 : index
      %swap3A_91 = tpu.vector_load %arg16[%swap3A_90] {strides = array<i32>} : memref<128xf32, #tpu.memory_space<vmem>>, vector<16xf32>,
      tpu.vector_store %arg16[%swap3A_90], %gather3A_89 {strides = array<i32>} : memref<128xf32, #tpu.memory_space<vmem>>, vector<16xf32>,
      %get3A_92 = arith.constant 64 : index
      %get3A_93 = tpu.vector_load %arg12[%get3A_92] {strides = array<i32>} : memref<128xi32, #tpu.memory_space<vmem>>, vector<16xi32>,
      %gather3A_94 = tpu.vector_load_idx %arg18[%get3A_93] : memref<10000xf32, #tpu.memory_space<vmem>>[vector<16xi32>], vector<16xf32>,
      %swap3A_95 = arith.constant 64 : index
      %swap3A_96 = tpu.vector_load %arg16[%swap3A_95] {strides = array<i32>} : memref<128xf32, #tpu.memory_space<vmem>>, vector<16xf32>,
      tpu.vector_store %arg16[%swap3A_95], %gather3A_94 {strides = array<i32>} : memref<128xf32, #tpu.memory_space<vmem>>, vector<16xf32>,
      %get3A_97 = arith.constant 80 : index
      %get3A_98 = tpu.vector_load %arg12[%get3A_97] {strides = array<i32>} : memref<128xi32, #tpu.memory_space<vmem>>, vector<16xi32>,
      %gather3A_99 = tpu.vector_load_idx %arg18[%get3A_98] : memref<10000xf32, #tpu.memory_space<vmem>>[vector<16xi32>], vector<16xf32>,
      %swap3A_100 = arith.constant 80 : index
      %swap3A_101 = tpu.vector_load %arg16[%swap3A_100] {strides = array<i32>} : memref<128xf32, #tpu.memory_space<vmem>>, vector<16xf32>,
      tpu.vector_store %arg16[%swap3A_100], %gather3A_99 {strides = array<i32>} : memref<128xf32, #tpu.memory_space<vmem>>, vector<16xf32>,
      %get3A_102 = arith.constant 96 : index
      %get3A_103 = tpu.vector_load %arg12[%get3A_102] {strides = array<i32>} : memref<128xi32, #tpu.memory_space<vmem>>, vector<16xi32>,
      %gather3A_104 = tpu.vector_load_idx %arg18[%get3A_103] : memref<10000xf32, #tpu.memory_space<vmem>>[vector<16xi32>], vector<16xf32>,
      %swap3A_105 = arith.constant 96 : index
      %swap3A_106 = tpu.vector_load %arg16[%swap3A_105] {strides = array<i32>} : memref<128xf32, #tpu.memory_space<vmem>>, vector<16xf32>,
      tpu.vector_store %arg16[%swap3A_105], %gather3A_104 {strides = array<i32>} : memref<128xf32, #tpu.memory_space<vmem>>, vector<16xf32>,
      %get3A_107 = arith.constant 112 : index
      %get3A_108 = tpu.vector_load %arg12[%get3A_107] {strides = array<i32>} : memref<128xi32, #tpu.memory_space<vmem>>, vector<16xi32>,
      %gather3A_109 = tpu.vector_load_idx %arg18[%get3A_108] : memref<10000xf32, #tpu.memory_space<vmem>>[vector<16xi32>], vector<16xf32>,
      %swap3A_110 = arith.constant 112 : index
      %swap3A_111 = tpu.vector_load %arg16[%swap3A_110] {strides = array<i32>} : memref<128xf32, #tpu.memory_space<vmem>>, vector<16xf32>,
      tpu.vector_store %arg16[%swap3A_110], %gather3A_109 {strides = array<i32>} : memref<128xf32, #tpu.memory_space<vmem>>, vector<16xf32>,
      %dma_start3A_112 = arith.constant 0 : i32
      %dma_start3A_113 = tpu.memref_slice %arg20[%dma_start3A_112] : memref<10240xf32, #tpu.memory_space<vmem_shared>> -> memref<10240xf32, #tpu.memory_space<vmem_shared>>
      tpu.enqueue_indirect_dma source(%arg16 : memref<128xf32, #tpu.memory_space<vmem>>) target(%dma_start3A_113 : memref<10240xf32, #tpu.memory_space<vmem_shared>>) offsets(%arg10 : memref<128xi32, #tpu.memory_space<vmem>>) semaphore(%arg27 : memref<!tpu.dma_semaphore, #tpu.memory_space<semaphore_mem>>) {add = true}
      %add3A_114 = arith.constant 1 : i32
      %add3A_115 = arith.addi %add3A_52, %add3A_114 : i32
      %gt3A_116 = arith.constant 0 : i32
      %gt3A_117 = arith.cmpi sgt, %add3A_115, %gt3A_116 : i32
      %convert_element_type3A_118 = arith.extui %gt3A_117 : i1 to i32
      %cond3A_119 = arith.constant 0 : i32
      %cond3A_120 = arith.cmpi ne, %convert_element_type3A_118, %cond3A_119 : i32
      scf.if %cond3A_120 {
        %dma_wait3A_181 = arith.constant 0 : i32
        %dma_wait3A_182 = arith.constant 0 : i32
        %dma_wait3A_183 = tpu.memref_slice %arg19[%dma_wait3A_181, %dma_wait3A_182] : memref<10240x128xf32, #tpu.memory_space<vmem_shared>> -> memref<10240x128xf32, #tpu.memory_space<vmem_shared>>
        tpu.wait_indirect_dma semaphore(%arg23 : memref<!tpu.dma_semaphore, #tpu.memory_space<semaphore_mem>>) src(%arg14 : memref<128x128xf32, #tpu.memory_space<vmem>>) dst(%dma_wait3A_183 : memref<10240x128xf32, #tpu.memory_space<vmem_shared>>)
        %dma_wait3A_184 = arith.constant 0 : i32
        %dma_wait3A_185 = tpu.memref_slice %arg20[%dma_wait3A_184] : memref<10240xf32, #tpu.memory_space<vmem_shared>> -> memref<10240xf32, #tpu.memory_space<vmem_shared>>
        tpu.wait_indirect_dma semaphore(%arg27 : memref<!tpu.dma_semaphore, #tpu.memory_space<semaphore_mem>>) src(%arg16 : memref<128xf32, #tpu.memory_space<vmem>>) dst(%dma_wait3A_185 : memref<10240xf32, #tpu.memory_space<vmem_shared>>)
      } else {
      }
      %add3A_121 = arith.constant 1 : i32
      %add3A_122 = arith.addi %add3A_115, %add3A_121 : i32
      %lt3A_123 = arith.cmpi slt, %add3A_122, %select_n3A : i32
      %convert_element_type3A_124 = arith.extui %lt3A_123 : i1 to i32
      %cond3A_125 = arith.constant 0 : i32
      %cond3A_126 = arith.cmpi ne, %convert_element_type3A_124, %cond3A_125 : i32
      scf.if %cond3A_126 {
        %add3A_181 = arith.constant 1 : i32
        %add3A_182 = arith.addi %add3A_115, %add3A_181 : i32
        %mul3A_183 = arith.constant 128 : i32
        %mul3A_184 = arith.muli %add3A_182, %mul3A_183 : i32
        %add3A_185 = arith.addi %mul3A_10, %mul3A_184 : i32
        %dma_start3A_186 = tpu.memref_slice %arg2[%add3A_185] : memref<320000xi32, #tpu.memory_space<hbm>> -> memref<128xi32, #tpu.memory_space<hbm>>
        %dma_start3A_187 = tpu.memref_slice %arg2[%add3A_185] : memref<320000xi32, #tpu.memory_space<hbm>> -> memref<128xi32, #tpu.memory_space<hbm>>
        tpu.enqueue_dma source(%dma_start3A_187 : memref<128xi32, #tpu.memory_space<hbm>>) target(%arg10 : memref<128xi32, #tpu.memory_space<vmem>>) target_semaphore(%arg25 : memref<!tpu.dma_semaphore, #tpu.memory_space<semaphore_mem>>)
        %dma_start3A_188 = tpu.memref_slice %arg3[%add3A_185] : memref<320000xi32, #tpu.memory_space<hbm>> -> memref<128xi32, #tpu.memory_space<hbm>>
        %dma_start3A_189 = tpu.memref_slice %arg3[%add3A_185] : memref<320000xi32, #tpu.memory_space<hbm>> -> memref<128xi32, #tpu.memory_space<hbm>>
        tpu.enqueue_dma source(%dma_start3A_189 : memref<128xi32, #tpu.memory_space<hbm>>) target(%arg12 : memref<128xi32, #tpu.memory_space<vmem>>) target_semaphore(%arg25 : memref<!tpu.dma_semaphore, #tpu.memory_space<semaphore_mem>>)
      } else {
      }
      %dma_wait3A_127 = arith.constant 0 : i32
      %dma_wait3A_128 = arith.constant 0 : i32
      %dma_wait3A_129 = tpu.memref_slice %arg4[%dma_wait3A_127, %dma_wait3A_128] : memref<10000x128xf32, #tpu.memory_space<hbm>> -> memref<10000x128xf32, #tpu.memory_space<hbm>>
      tpu.wait_indirect_dma semaphore(%arg22 : memref<!tpu.dma_semaphore, #tpu.memory_space<semaphore_mem>>) src(%dma_wait3A_129 : memref<10000x128xf32, #tpu.memory_space<hbm>>) dst(%arg15 : memref<128x128xf32, #tpu.memory_space<vmem>>)
      %dma_start3A_130 = arith.constant 0 : i32
      %dma_start3A_131 = arith.constant 0 : i32
      %dma_start3A_132 = tpu.memref_slice %arg19[%dma_start3A_130, %dma_start3A_131] : memref<10240x128xf32, #tpu.memory_space<vmem_shared>> -> memref<10240x128xf32, #tpu.memory_space<vmem_shared>>
      tpu.enqueue_indirect_dma source(%arg15 : memref<128x128xf32, #tpu.memory_space<vmem>>) target(%dma_start3A_132 : memref<10240x128xf32, #tpu.memory_space<vmem_shared>>) offsets(%arg13 : memref<128xi32, #tpu.memory_space<vmem>>) semaphore(%arg24 : memref<!tpu.dma_semaphore, #tpu.memory_space<semaphore_mem>>) {add = true}
      %add3A_133 = arith.constant 1 : i32
      %add3A_134 = arith.addi %add3A_115, %add3A_133 : i32
      %lt3A_135 = arith.cmpi slt, %add3A_134, %select_n3A : i32
      %convert_element_type3A_136 = arith.extui %lt3A_135 : i1 to i32
      %cond3A_137 = arith.constant 0 : i32
      %cond3A_138 = arith.cmpi ne, %convert_element_type3A_136, %cond3A_137 : i32
      scf.if %cond3A_138 {
        %dma_wait3A_181 = arith.constant 0 : i32
        %dma_wait3A_182 = tpu.memref_slice %arg2[%dma_wait3A_181] : memref<320000xi32, #tpu.memory_space<hbm>> -> memref<128xi32, #tpu.memory_space<hbm>>
        %dma_wait3A_183 = arith.constant 0 : i32
        %dma_wait3A_184 = tpu.memref_slice %arg2[%dma_wait3A_183] : memref<320000xi32, #tpu.memory_space<hbm>> -> memref<128xi32, #tpu.memory_space<hbm>>
        tpu.wait_dma2 semaphore(%arg25 : memref<!tpu.dma_semaphore, #tpu.memory_space<semaphore_mem>>) src(%dma_wait3A_184 : memref<128xi32, #tpu.memory_space<hbm>>) dst(%arg10 : memref<128xi32, #tpu.memory_space<vmem>>)
        %dma_wait3A_185 = arith.constant 0 : i32
        %dma_wait3A_186 = tpu.memref_slice %arg3[%dma_wait3A_185] : memref<320000xi32, #tpu.memory_space<hbm>> -> memref<128xi32, #tpu.memory_space<hbm>>
        %dma_wait3A_187 = arith.constant 0 : i32
        %dma_wait3A_188 = tpu.memref_slice %arg3[%dma_wait3A_187] : memref<320000xi32, #tpu.memory_space<hbm>> -> memref<128xi32, #tpu.memory_space<hbm>>
        tpu.wait_dma2 semaphore(%arg25 : memref<!tpu.dma_semaphore, #tpu.memory_space<semaphore_mem>>) src(%dma_wait3A_188 : memref<128xi32, #tpu.memory_space<hbm>>) dst(%arg12 : memref<128xi32, #tpu.memory_space<vmem>>)
        %dma_start3A_189 = arith.constant 0 : i32
        %dma_start3A_190 = arith.constant 0 : i32
        %dma_start3A_191 = tpu.memref_slice %arg4[%dma_start3A_189, %dma_start3A_190] : memref<10000x128xf32, #tpu.memory_space<hbm>> -> memref<10000x128xf32, #tpu.memory_space<hbm>>
        tpu.enqueue_indirect_dma source(%dma_start3A_191 : memref<10000x128xf32, #tpu.memory_space<hbm>>) target(%arg14 : memref<128x128xf32, #tpu.memory_space<vmem>>) offsets(%arg10 : memref<128xi32, #tpu.memory_space<vmem>>) semaphore(%arg21 : memref<!tpu.dma_semaphore, #tpu.memory_space<semaphore_mem>>)
      } else {
      }
      %get3A_139 = arith.constant 0 : index
      %get3A_140 = tpu.vector_load %arg13[%get3A_139] {strides = array<i32>} : memref<128xi32, #tpu.memory_space<vmem>>, vector<16xi32>,
      %gather3A_141 = tpu.vector_load_idx %arg18[%get3A_140] : memref<10000xf32, #tpu.memory_space<vmem>>[vector<16xi32>], vector<16xf32>,
      %swap3A_142 = arith.constant 0 : index
      %swap3A_143 = tpu.vector_load %arg17[%swap3A_142] {strides = array<i32>} : memref<128xf32, #tpu.memory_space<vmem>>, vector<16xf32>,
      tpu.vector_store %arg17[%swap3A_142], %gather3A_141 {strides = array<i32>} : memref<128xf32, #tpu.memory_space<vmem>>, vector<16xf32>,
      %get3A_144 = arith.constant 16 : index
      %get3A_145 = tpu.vector_load %arg13[%get3A_144] {strides = array<i32>} : memref<128xi32, #tpu.memory_space<vmem>>, vector<16xi32>,
      %gather3A_146 = tpu.vector_load_idx %arg18[%get3A_145] : memref<10000xf32, #tpu.memory_space<vmem>>[vector<16xi32>], vector<16xf32>,
      %swap3A_147 = arith.constant 16 : index
      %swap3A_148 = tpu.vector_load %arg17[%swap3A_147] {strides = array<i32>} : memref<128xf32, #tpu.memory_space<vmem>>, vector<16xf32>,
      tpu.vector_store %arg17[%swap3A_147], %gather3A_146 {strides = array<i32>} : memref<128xf32, #tpu.memory_space<vmem>>, vector<16xf32>,
      %get3A_149 = arith.constant 32 : index
      %get3A_150 = tpu.vector_load %arg13[%get3A_149] {strides = array<i32>} : memref<128xi32, #tpu.memory_space<vmem>>, vector<16xi32>,
      %gather3A_151 = tpu.vector_load_idx %arg18[%get3A_150] : memref<10000xf32, #tpu.memory_space<vmem>>[vector<16xi32>], vector<16xf32>,
      %swap3A_152 = arith.constant 32 : index
      %swap3A_153 = tpu.vector_load %arg17[%swap3A_152] {strides = array<i32>} : memref<128xf32, #tpu.memory_space<vmem>>, vector<16xf32>,
      tpu.vector_store %arg17[%swap3A_152], %gather3A_151 {strides = array<i32>} : memref<128xf32, #tpu.memory_space<vmem>>, vector<16xf32>,
      %get3A_154 = arith.constant 48 : index
      %get3A_155 = tpu.vector_load %arg13[%get3A_154] {strides = array<i32>} : memref<128xi32, #tpu.memory_space<vmem>>, vector<16xi32>,
      %gather3A_156 = tpu.vector_load_idx %arg18[%get3A_155] : memref<10000xf32, #tpu.memory_space<vmem>>[vector<16xi32>], vector<16xf32>,
      %swap3A_157 = arith.constant 48 : index
      %swap3A_158 = tpu.vector_load %arg17[%swap3A_157] {strides = array<i32>} : memref<128xf32, #tpu.memory_space<vmem>>, vector<16xf32>,
      tpu.vector_store %arg17[%swap3A_157], %gather3A_156 {strides = array<i32>} : memref<128xf32, #tpu.memory_space<vmem>>, vector<16xf32>,
      %get3A_159 = arith.constant 64 : index
      %get3A_160 = tpu.vector_load %arg13[%get3A_159] {strides = array<i32>} : memref<128xi32, #tpu.memory_space<vmem>>, vector<16xi32>,
      %gather3A_161 = tpu.vector_load_idx %arg18[%get3A_160] : memref<10000xf32, #tpu.memory_space<vmem>>[vector<16xi32>], vector<16xf32>,
      %swap3A_162 = arith.constant 64 : index
      %swap3A_163 = tpu.vector_load %arg17[%swap3A_162] {strides = array<i32>} : memref<128xf32, #tpu.memory_space<vmem>>, vector<16xf32>,
      tpu.vector_store %arg17[%swap3A_162], %gather3A_161 {strides = array<i32>} : memref<128xf32, #tpu.memory_space<vmem>>, vector<16xf32>,
      %get3A_164 = arith.constant 80 : index
      %get3A_165 = tpu.vector_load %arg13[%get3A_164] {strides = array<i32>} : memref<128xi32, #tpu.memory_space<vmem>>, vector<16xi32>,
      %gather3A_166 = tpu.vector_load_idx %arg18[%get3A_165] : memref<10000xf32, #tpu.memory_space<vmem>>[vector<16xi32>], vector<16xf32>,
      %swap3A_167 = arith.constant 80 : index
      %swap3A_168 = tpu.vector_load %arg17[%swap3A_167] {strides = array<i32>} : memref<128xf32, #tpu.memory_space<vmem>>, vector<16xf32>,
      tpu.vector_store %arg17[%swap3A_167], %gather3A_166 {strides = array<i32>} : memref<128xf32, #tpu.memory_space<vmem>>, vector<16xf32>,
      %get3A_169 = arith.constant 96 : index
      %get3A_170 = tpu.vector_load %arg13[%get3A_169] {strides = array<i32>} : memref<128xi32, #tpu.memory_space<vmem>>, vector<16xi32>,
      %gather3A_171 = tpu.vector_load_idx %arg18[%get3A_170] : memref<10000xf32, #tpu.memory_space<vmem>>[vector<16xi32>], vector<16xf32>,
      %swap3A_172 = arith.constant 96 : index
      %swap3A_173 = tpu.vector_load %arg17[%swap3A_172] {strides = array<i32>} : memref<128xf32, #tpu.memory_space<vmem>>, vector<16xf32>,
      tpu.vector_store %arg17[%swap3A_172], %gather3A_171 {strides = array<i32>} : memref<128xf32, #tpu.memory_space<vmem>>, vector<16xf32>,
      %get3A_174 = arith.constant 112 : index
      %get3A_175 = tpu.vector_load %arg13[%get3A_174] {strides = array<i32>} : memref<128xi32, #tpu.memory_space<vmem>>, vector<16xi32>,
      %gather3A_176 = tpu.vector_load_idx %arg18[%get3A_175] : memref<10000xf32, #tpu.memory_space<vmem>>[vector<16xi32>], vector<16xf32>,
      %swap3A_177 = arith.constant 112 : index
      %swap3A_178 = tpu.vector_load %arg17[%swap3A_177] {strides = array<i32>} : memref<128xf32, #tpu.memory_space<vmem>>, vector<16xf32>,
      tpu.vector_store %arg17[%swap3A_177], %gather3A_176 {strides = array<i32>} : memref<128xf32, #tpu.memory_space<vmem>>, vector<16xf32>,
      %dma_start3A_179 = arith.constant 0 : i32
      %dma_start3A_180 = tpu.memref_slice %arg20[%dma_start3A_179] : memref<10240xf32, #tpu.memory_space<vmem_shared>> -> memref<10240xf32, #tpu.memory_space<vmem_shared>>
      tpu.enqueue_indirect_dma source(%arg17 : memref<128xf32, #tpu.memory_space<vmem>>) target(%dma_start3A_180 : memref<10240xf32, #tpu.memory_space<vmem_shared>>) offsets(%arg11 : memref<128xi32, #tpu.memory_space<vmem>>) semaphore(%arg28 : memref<!tpu.dma_semaphore, #tpu.memory_space<semaphore_mem>>) {add = true}
    }
    %while3A_36 = arith.constant 1 : i32
    scf.for %while3A_50 = %while3A_34 to %while3A_30 step %while3A_36  : i32 {
      %mul3A_51 = arith.muli %while3A_50, %while3A : i32
      %add3A_52 = arith.addi %while3A_27, %mul3A_51 : i32
      %add3A_53 = arith.constant 0 : i32
      %add3A_54 = arith.addi %add3A_52, %add3A_53 : i32
      %gt3A = arith.constant 0 : i32
      %gt3A_55 = arith.cmpi sgt, %add3A_54, %gt3A : i32
      %convert_element_type3A = arith.extui %gt3A_55 : i1 to i32
      %cond3A = arith.constant 0 : i32
      %cond3A_56 = arith.cmpi ne, %convert_element_type3A, %cond3A : i32
      scf.if %cond3A_56 {
        %dma_wait3A_181 = arith.constant 0 : i32
        %dma_wait3A_182 = arith.constant 0 : i32
        %dma_wait3A_183 = tpu.memref_slice %arg19[%dma_wait3A_181, %dma_wait3A_182] : memref<10240x128xf32, #tpu.memory_space<vmem_shared>> -> memref<10240x128xf32, #tpu.memory_space<vmem_shared>>
        tpu.wait_indirect_dma semaphore(%arg24 : memref<!tpu.dma_semaphore, #tpu.memory_space<semaphore_mem>>) src(%arg15 : memref<128x128xf32, #tpu.memory_space<vmem>>) dst(%dma_wait3A_183 : memref<10240x128xf32, #tpu.memory_space<vmem_shared>>)
        %dma_wait3A_184 = arith.constant 0 : i32
        %dma_wait3A_185 = tpu.memref_slice %arg20[%dma_wait3A_184] : memref<10240xf32, #tpu.memory_space<vmem_shared>> -> memref<10240xf32, #tpu.memory_space<vmem_shared>>
        tpu.wait_indirect_dma semaphore(%arg28 : memref<!tpu.dma_semaphore, #tpu.memory_space<semaphore_mem>>) src(%arg17 : memref<128xf32, #tpu.memory_space<vmem>>) dst(%dma_wait3A_185 : memref<10240xf32, #tpu.memory_space<vmem_shared>>)
      } else {
      }
      %add3A_57 = arith.constant 1 : i32
      %add3A_58 = arith.addi %add3A_54, %add3A_57 : i32
      %lt3A_59 = arith.cmpi slt, %add3A_58, %select_n3A : i32
      %convert_element_type3A_60 = arith.extui %lt3A_59 : i1 to i32
      %cond3A_61 = arith.constant 0 : i32
      %cond3A_62 = arith.cmpi ne, %convert_element_type3A_60, %cond3A_61 : i32
      scf.if %cond3A_62 {
        %add3A_181 = arith.constant 1 : i32
        %add3A_182 = arith.addi %add3A_54, %add3A_181 : i32
        %mul3A_183 = arith.constant 128 : i32
        %mul3A_184 = arith.muli %add3A_182, %mul3A_183 : i32
        %add3A_185 = arith.addi %mul3A_10, %mul3A_184 : i32
        %dma_start3A_186 = tpu.memref_slice %arg2[%add3A_185] : memref<320000xi32, #tpu.memory_space<hbm>> -> memref<128xi32, #tpu.memory_space<hbm>>
        %dma_start3A_187 = tpu.memref_slice %arg2[%add3A_185] : memref<320000xi32, #tpu.memory_space<hbm>> -> memref<128xi32, #tpu.memory_space<hbm>>
        tpu.enqueue_dma source(%dma_start3A_187 : memref<128xi32, #tpu.memory_space<hbm>>) target(%arg11 : memref<128xi32, #tpu.memory_space<vmem>>) target_semaphore(%arg26 : memref<!tpu.dma_semaphore, #tpu.memory_space<semaphore_mem>>)
        %dma_start3A_188 = tpu.memref_slice %arg3[%add3A_185] : memref<320000xi32, #tpu.memory_space<hbm>> -> memref<128xi32, #tpu.memory_space<hbm>>
        %dma_start3A_189 = tpu.memref_slice %arg3[%add3A_185] : memref<320000xi32, #tpu.memory_space<hbm>> -> memref<128xi32, #tpu.memory_space<hbm>>
        tpu.enqueue_dma source(%dma_start3A_189 : memref<128xi32, #tpu.memory_space<hbm>>) target(%arg13 : memref<128xi32, #tpu.memory_space<vmem>>) target_semaphore(%arg26 : memref<!tpu.dma_semaphore, #tpu.memory_space<semaphore_mem>>)
      } else {
      }
      %dma_wait3A_63 = arith.constant 0 : i32
      %dma_wait3A_64 = arith.constant 0 : i32
      %dma_wait3A_65 = tpu.memref_slice %arg4[%dma_wait3A_63, %dma_wait3A_64] : memref<10000x128xf32, #tpu.memory_space<hbm>> -> memref<10000x128xf32, #tpu.memory_space<hbm>>
      tpu.wait_indirect_dma semaphore(%arg21 : memref<!tpu.dma_semaphore, #tpu.memory_space<semaphore_mem>>) src(%dma_wait3A_65 : memref<10000x128xf32, #tpu.memory_space<hbm>>) dst(%arg14 : memref<128x128xf32, #tpu.memory_space<vmem>>)
      %dma_start3A_66 = arith.constant 0 : i32
      %dma_start3A_67 = arith.constant 0 : i32
      %dma_start3A_68 = tpu.memref_slice %arg19[%dma_start3A_66, %dma_start3A_67] : memref<10240x128xf32, #tpu.memory_space<vmem_shared>> -> memref<10240x128xf32, #tpu.memory_space<vmem_shared>>
      tpu.enqueue_indirect_dma source(%arg14 : memref<128x128xf32, #tpu.memory_space<vmem>>) target(%dma_start3A_68 : memref<10240x128xf32, #tpu.memory_space<vmem_shared>>) offsets(%arg12 : memref<128xi32, #tpu.memory_space<vmem>>) semaphore(%arg23 : memref<!tpu.dma_semaphore, #tpu.memory_space<semaphore_mem>>) {add = true}
      %add3A_69 = arith.constant 1 : i32
      %add3A_70 = arith.addi %add3A_54, %add3A_69 : i32
      %lt3A_71 = arith.cmpi slt, %add3A_70, %select_n3A : i32
      %convert_element_type3A_72 = arith.extui %lt3A_71 : i1 to i32
      %cond3A_73 = arith.constant 0 : i32
      %cond3A_74 = arith.cmpi ne, %convert_element_type3A_72, %cond3A_73 : i32
      scf.if %cond3A_74 {
        %dma_wait3A_181 = arith.constant 0 : i32
        %dma_wait3A_182 = tpu.memref_slice %arg2[%dma_wait3A_181] : memref<320000xi32, #tpu.memory_space<hbm>> -> memref<128xi32, #tpu.memory_space<hbm>>
        %dma_wait3A_183 = arith.constant 0 : i32
        %dma_wait3A_184 = tpu.memref_slice %arg2[%dma_wait3A_183] : memref<320000xi32, #tpu.memory_space<hbm>> -> memref<128xi32, #tpu.memory_space<hbm>>
        tpu.wait_dma2 semaphore(%arg26 : memref<!tpu.dma_semaphore, #tpu.memory_space<semaphore_mem>>) src(%dma_wait3A_184 : memref<128xi32, #tpu.memory_space<hbm>>) dst(%arg11 : memref<128xi32, #tpu.memory_space<vmem>>)
        %dma_wait3A_185 = arith.constant 0 : i32
        %dma_wait3A_186 = tpu.memref_slice %arg3[%dma_wait3A_185] : memref<320000xi32, #tpu.memory_space<hbm>> -> memref<128xi32, #tpu.memory_space<hbm>>
        %dma_wait3A_187 = arith.constant 0 : i32
        %dma_wait3A_188 = tpu.memref_slice %arg3[%dma_wait3A_187] : memref<320000xi32, #tpu.memory_space<hbm>> -> memref<128xi32, #tpu.memory_space<hbm>>
        tpu.wait_dma2 semaphore(%arg26 : memref<!tpu.dma_semaphore, #tpu.memory_space<semaphore_mem>>) src(%dma_wait3A_188 : memref<128xi32, #tpu.memory_space<hbm>>) dst(%arg13 : memref<128xi32, #tpu.memory_space<vmem>>)
        %dma_start3A_189 = arith.constant 0 : i32
        %dma_start3A_190 = arith.constant 0 : i32
        %dma_start3A_191 = tpu.memref_slice %arg4[%dma_start3A_189, %dma_start3A_190] : memref<10000x128xf32, #tpu.memory_space<hbm>> -> memref<10000x128xf32, #tpu.memory_space<hbm>>
        tpu.enqueue_indirect_dma source(%dma_start3A_191 : memref<10000x128xf32, #tpu.memory_space<hbm>>) target(%arg15 : memref<128x128xf32, #tpu.memory_space<vmem>>) offsets(%arg11 : memref<128xi32, #tpu.memory_space<vmem>>) semaphore(%arg22 : memref<!tpu.dma_semaphore, #tpu.memory_space<semaphore_mem>>)
      } else {
      }
      %get3A = arith.constant 0 : index
      %get3A_75 = tpu.vector_load %arg12[%get3A] {strides = array<i32>} : memref<128xi32, #tpu.memory_space<vmem>>, vector<16xi32>,
      %gather3A = tpu.vector_load_idx %arg18[%get3A_75] : memref<10000xf32, #tpu.memory_space<vmem>>[vector<16xi32>], vector<16xf32>,
      %swap3A = arith.constant 0 : index
      %swap3A_76 = tpu.vector_load %arg16[%swap3A] {strides = array<i32>} : memref<128xf32, #tpu.memory_space<vmem>>, vector<16xf32>,
      tpu.vector_store %arg16[%swap3A], %gather3A {strides = array<i32>} : memref<128xf32, #tpu.memory_space<vmem>>, vector<16xf32>,
      %get3A_77 = arith.constant 16 : index
      %get3A_78 = tpu.vector_load %arg12[%get3A_77] {strides = array<i32>} : memref<128xi32, #tpu.memory_space<vmem>>, vector<16xi32>,
      %gather3A_79 = tpu.vector_load_idx %arg18[%get3A_78] : memref<10000xf32, #tpu.memory_space<vmem>>[vector<16xi32>], vector<16xf32>,
      %swap3A_80 = arith.constant 16 : index
      %swap3A_81 = tpu.vector_load %arg16[%swap3A_80] {strides = array<i32>} : memref<128xf32, #tpu.memory_space<vmem>>, vector<16xf32>,
      tpu.vector_store %arg16[%swap3A_80], %gather3A_79 {strides = array<i32>} : memref<128xf32, #tpu.memory_space<vmem>>, vector<16xf32>,
      %get3A_82 = arith.constant 32 : index
      %get3A_83 = tpu.vector_load %arg12[%get3A_82] {strides = array<i32>} : memref<128xi32, #tpu.memory_space<vmem>>, vector<16xi32>,
      %gather3A_84 = tpu.vector_load_idx %arg18[%get3A_83] : memref<10000xf32, #tpu.memory_space<vmem>>[vector<16xi32>], vector<16xf32>,
      %swap3A_85 = arith.constant 32 : index
      %swap3A_86 = tpu.vector_load %arg16[%swap3A_85] {strides = array<i32>} : memref<128xf32, #tpu.memory_space<vmem>>, vector<16xf32>,
      tpu.vector_store %arg16[%swap3A_85], %gather3A_84 {strides = array<i32>} : memref<128xf32, #tpu.memory_space<vmem>>, vector<16xf32>,
      %get3A_87 = arith.constant 48 : index
      %get3A_88 = tpu.vector_load %arg12[%get3A_87] {strides = array<i32>} : memref<128xi32, #tpu.memory_space<vmem>>, vector<16xi32>,
      %gather3A_89 = tpu.vector_load_idx %arg18[%get3A_88] : memref<10000xf32, #tpu.memory_space<vmem>>[vector<16xi32>], vector<16xf32>,
      %swap3A_90 = arith.constant 48 : index
      %swap3A_91 = tpu.vector_load %arg16[%swap3A_90] {strides = array<i32>} : memref<128xf32, #tpu.memory_space<vmem>>, vector<16xf32>,
      tpu.vector_store %arg16[%swap3A_90], %gather3A_89 {strides = array<i32>} : memref<128xf32, #tpu.memory_space<vmem>>, vector<16xf32>,
      %get3A_92 = arith.constant 64 : index
      %get3A_93 = tpu.vector_load %arg12[%get3A_92] {strides = array<i32>} : memref<128xi32, #tpu.memory_space<vmem>>, vector<16xi32>,
      %gather3A_94 = tpu.vector_load_idx %arg18[%get3A_93] : memref<10000xf32, #tpu.memory_space<vmem>>[vector<16xi32>], vector<16xf32>,
      %swap3A_95 = arith.constant 64 : index
      %swap3A_96 = tpu.vector_load %arg16[%swap3A_95] {strides = array<i32>} : memref<128xf32, #tpu.memory_space<vmem>>, vector<16xf32>,
      tpu.vector_store %arg16[%swap3A_95], %gather3A_94 {strides = array<i32>} : memref<128xf32, #tpu.memory_space<vmem>>, vector<16xf32>,
      %get3A_97 = arith.constant 80 : index
      %get3A_98 = tpu.vector_load %arg12[%get3A_97] {strides = array<i32>} : memref<128xi32, #tpu.memory_space<vmem>>, vector<16xi32>,
      %gather3A_99 = tpu.vector_load_idx %arg18[%get3A_98] : memref<10000xf32, #tpu.memory_space<vmem>>[vector<16xi32>], vector<16xf32>,
      %swap3A_100 = arith.constant 80 : index
      %swap3A_101 = tpu.vector_load %arg16[%swap3A_100] {strides = array<i32>} : memref<128xf32, #tpu.memory_space<vmem>>, vector<16xf32>,
      tpu.vector_store %arg16[%swap3A_100], %gather3A_99 {strides = array<i32>} : memref<128xf32, #tpu.memory_space<vmem>>, vector<16xf32>,
      %get3A_102 = arith.constant 96 : index
      %get3A_103 = tpu.vector_load %arg12[%get3A_102] {strides = array<i32>} : memref<128xi32, #tpu.memory_space<vmem>>, vector<16xi32>,
      %gather3A_104 = tpu.vector_load_idx %arg18[%get3A_103] : memref<10000xf32, #tpu.memory_space<vmem>>[vector<16xi32>], vector<16xf32>,
      %swap3A_105 = arith.constant 96 : index
      %swap3A_106 = tpu.vector_load %arg16[%swap3A_105] {strides = array<i32>} : memref<128xf32, #tpu.memory_space<vmem>>, vector<16xf32>,
      tpu.vector_store %arg16[%swap3A_105], %gather3A_104 {strides = array<i32>} : memref<128xf32, #tpu.memory_space<vmem>>, vector<16xf32>,
      %get3A_107 = arith.constant 112 : index
      %get3A_108 = tpu.vector_load %arg12[%get3A_107] {strides = array<i32>} : memref<128xi32, #tpu.memory_space<vmem>>, vector<16xi32>,
      %gather3A_109 = tpu.vector_load_idx %arg18[%get3A_108] : memref<10000xf32, #tpu.memory_space<vmem>>[vector<16xi32>], vector<16xf32>,
      %swap3A_110 = arith.constant 112 : index
      %swap3A_111 = tpu.vector_load %arg16[%swap3A_110] {strides = array<i32>} : memref<128xf32, #tpu.memory_space<vmem>>, vector<16xf32>,
      tpu.vector_store %arg16[%swap3A_110], %gather3A_109 {strides = array<i32>} : memref<128xf32, #tpu.memory_space<vmem>>, vector<16xf32>,
      %dma_start3A_112 = arith.constant 0 : i32
      %dma_start3A_113 = tpu.memref_slice %arg20[%dma_start3A_112] : memref<10240xf32, #tpu.memory_space<vmem_shared>> -> memref<10240xf32, #tpu.memory_space<vmem_shared>>
      tpu.enqueue_indirect_dma source(%arg16 : memref<128xf32, #tpu.memory_space<vmem>>) target(%dma_start3A_113 : memref<10240xf32, #tpu.memory_space<vmem_shared>>) offsets(%arg10 : memref<128xi32, #tpu.memory_space<vmem>>) semaphore(%arg27 : memref<!tpu.dma_semaphore, #tpu.memory_space<semaphore_mem>>) {add = true}
      %add3A_114 = arith.constant 1 : i32
      %add3A_115 = arith.addi %add3A_52, %add3A_114 : i32
      %gt3A_116 = arith.constant 0 : i32
      %gt3A_117 = arith.cmpi sgt, %add3A_115, %gt3A_116 : i32
      %convert_element_type3A_118 = arith.extui %gt3A_117 : i1 to i32
      %cond3A_119 = arith.constant 0 : i32
      %cond3A_120 = arith.cmpi ne, %convert_element_type3A_118, %cond3A_119 : i32
      scf.if %cond3A_120 {
        %dma_wait3A_181 = arith.constant 0 : i32
        %dma_wait3A_182 = arith.constant 0 : i32
        %dma_wait3A_183 = tpu.memref_slice %arg19[%dma_wait3A_181, %dma_wait3A_182] : memref<10240x128xf32, #tpu.memory_space<vmem_shared>> -> memref<10240x128xf32, #tpu.memory_space<vmem_shared>>
        tpu.wait_indirect_dma semaphore(%arg23 : memref<!tpu.dma_semaphore, #tpu.memory_space<semaphore_mem>>) src(%arg14 : memref<128x128xf32, #tpu.memory_space<vmem>>) dst(%dma_wait3A_183 : memref<10240x128xf32, #tpu.memory_space<vmem_shared>>)
        %dma_wait3A_184 = arith.constant 0 : i32
        %dma_wait3A_185 = tpu.memref_slice %arg20[%dma_wait3A_184] : memref<10240xf32, #tpu.memory_space<vmem_shared>> -> memref<10240xf32, #tpu.memory_space<vmem_shared>>
        tpu.wait_indirect_dma semaphore(%arg27 : memref<!tpu.dma_semaphore, #tpu.memory_space<semaphore_mem>>) src(%arg16 : memref<128xf32, #tpu.memory_space<vmem>>) dst(%dma_wait3A_185 : memref<10240xf32, #tpu.memory_space<vmem_shared>>)
      } else {
      }
      %add3A_121 = arith.constant 1 : i32
      %add3A_122 = arith.addi %add3A_115, %add3A_121 : i32
      %lt3A_123 = arith.cmpi slt, %add3A_122, %select_n3A : i32
      %convert_element_type3A_124 = arith.extui %lt3A_123 : i1 to i32
      %cond3A_125 = arith.constant 0 : i32
      %cond3A_126 = arith.cmpi ne, %convert_element_type3A_124, %cond3A_125 : i32
      scf.if %cond3A_126 {
        %add3A_181 = arith.constant 1 : i32
        %add3A_182 = arith.addi %add3A_115, %add3A_181 : i32
        %mul3A_183 = arith.constant 128 : i32
        %mul3A_184 = arith.muli %add3A_182, %mul3A_183 : i32
        %add3A_185 = arith.addi %mul3A_10, %mul3A_184 : i32
        %dma_start3A_186 = tpu.memref_slice %arg2[%add3A_185] : memref<320000xi32, #tpu.memory_space<hbm>> -> memref<128xi32, #tpu.memory_space<hbm>>
        %dma_start3A_187 = tpu.memref_slice %arg2[%add3A_185] : memref<320000xi32, #tpu.memory_space<hbm>> -> memref<128xi32, #tpu.memory_space<hbm>>
        tpu.enqueue_dma source(%dma_start3A_187 : memref<128xi32, #tpu.memory_space<hbm>>) target(%arg10 : memref<128xi32, #tpu.memory_space<vmem>>) target_semaphore(%arg25 : memref<!tpu.dma_semaphore, #tpu.memory_space<semaphore_mem>>)
        %dma_start3A_188 = tpu.memref_slice %arg3[%add3A_185] : memref<320000xi32, #tpu.memory_space<hbm>> -> memref<128xi32, #tpu.memory_space<hbm>>
        %dma_start3A_189 = tpu.memref_slice %arg3[%add3A_185] : memref<320000xi32, #tpu.memory_space<hbm>> -> memref<128xi32, #tpu.memory_space<hbm>>
        tpu.enqueue_dma source(%dma_start3A_189 : memref<128xi32, #tpu.memory_space<hbm>>) target(%arg12 : memref<128xi32, #tpu.memory_space<vmem>>) target_semaphore(%arg25 : memref<!tpu.dma_semaphore, #tpu.memory_space<semaphore_mem>>)
      } else {
      }
      %dma_wait3A_127 = arith.constant 0 : i32
      %dma_wait3A_128 = arith.constant 0 : i32
      %dma_wait3A_129 = tpu.memref_slice %arg4[%dma_wait3A_127, %dma_wait3A_128] : memref<10000x128xf32, #tpu.memory_space<hbm>> -> memref<10000x128xf32, #tpu.memory_space<hbm>>
      tpu.wait_indirect_dma semaphore(%arg22 : memref<!tpu.dma_semaphore, #tpu.memory_space<semaphore_mem>>) src(%dma_wait3A_129 : memref<10000x128xf32, #tpu.memory_space<hbm>>) dst(%arg15 : memref<128x128xf32, #tpu.memory_space<vmem>>)
      %dma_start3A_130 = arith.constant 0 : i32
      %dma_start3A_131 = arith.constant 0 : i32
      %dma_start3A_132 = tpu.memref_slice %arg19[%dma_start3A_130, %dma_start3A_131] : memref<10240x128xf32, #tpu.memory_space<vmem_shared>> -> memref<10240x128xf32, #tpu.memory_space<vmem_shared>>
      tpu.enqueue_indirect_dma source(%arg15 : memref<128x128xf32, #tpu.memory_space<vmem>>) target(%dma_start3A_132 : memref<10240x128xf32, #tpu.memory_space<vmem_shared>>) offsets(%arg13 : memref<128xi32, #tpu.memory_space<vmem>>) semaphore(%arg24 : memref<!tpu.dma_semaphore, #tpu.memory_space<semaphore_mem>>) {add = true}
      %add3A_133 = arith.constant 1 : i32
      %add3A_134 = arith.addi %add3A_115, %add3A_133 : i32
      %lt3A_135 = arith.cmpi slt, %add3A_134, %select_n3A : i32
      %convert_element_type3A_136 = arith.extui %lt3A_135 : i1 to i32
      %cond3A_137 = arith.constant 0 : i32
      %cond3A_138 = arith.cmpi ne, %convert_element_type3A_136, %cond3A_137 : i32
      scf.if %cond3A_138 {
        %dma_wait3A_181 = arith.constant 0 : i32
        %dma_wait3A_182 = tpu.memref_slice %arg2[%dma_wait3A_181] : memref<320000xi32, #tpu.memory_space<hbm>> -> memref<128xi32, #tpu.memory_space<hbm>>
        %dma_wait3A_183 = arith.constant 0 : i32
        %dma_wait3A_184 = tpu.memref_slice %arg2[%dma_wait3A_183] : memref<320000xi32, #tpu.memory_space<hbm>> -> memref<128xi32, #tpu.memory_space<hbm>>
        tpu.wait_dma2 semaphore(%arg25 : memref<!tpu.dma_semaphore, #tpu.memory_space<semaphore_mem>>) src(%dma_wait3A_184 : memref<128xi32, #tpu.memory_space<hbm>>) dst(%arg10 : memref<128xi32, #tpu.memory_space<vmem>>)
        %dma_wait3A_185 = arith.constant 0 : i32
        %dma_wait3A_186 = tpu.memref_slice %arg3[%dma_wait3A_185] : memref<320000xi32, #tpu.memory_space<hbm>> -> memref<128xi32, #tpu.memory_space<hbm>>
        %dma_wait3A_187 = arith.constant 0 : i32
        %dma_wait3A_188 = tpu.memref_slice %arg3[%dma_wait3A_187] : memref<320000xi32, #tpu.memory_space<hbm>> -> memref<128xi32, #tpu.memory_space<hbm>>
        tpu.wait_dma2 semaphore(%arg25 : memref<!tpu.dma_semaphore, #tpu.memory_space<semaphore_mem>>) src(%dma_wait3A_188 : memref<128xi32, #tpu.memory_space<hbm>>) dst(%arg12 : memref<128xi32, #tpu.memory_space<vmem>>)
        %dma_start3A_189 = arith.constant 0 : i32
        %dma_start3A_190 = arith.constant 0 : i32
        %dma_start3A_191 = tpu.memref_slice %arg4[%dma_start3A_189, %dma_start3A_190] : memref<10000x128xf32, #tpu.memory_space<hbm>> -> memref<10000x128xf32, #tpu.memory_space<hbm>>
        tpu.enqueue_indirect_dma source(%dma_start3A_191 : memref<10000x128xf32, #tpu.memory_space<hbm>>) target(%arg14 : memref<128x128xf32, #tpu.memory_space<vmem>>) offsets(%arg10 : memref<128xi32, #tpu.memory_space<vmem>>) semaphore(%arg21 : memref<!tpu.dma_semaphore, #tpu.memory_space<semaphore_mem>>)
      } else {
      }
      %get3A_139 = arith.constant 0 : index
      %get3A_140 = tpu.vector_load %arg13[%get3A_139] {strides = array<i32>} : memref<128xi32, #tpu.memory_space<vmem>>, vector<16xi32>,
      %gather3A_141 = tpu.vector_load_idx %arg18[%get3A_140] : memref<10000xf32, #tpu.memory_space<vmem>>[vector<16xi32>], vector<16xf32>,
      %swap3A_142 = arith.constant 0 : index
      %swap3A_143 = tpu.vector_load %arg17[%swap3A_142] {strides = array<i32>} : memref<128xf32, #tpu.memory_space<vmem>>, vector<16xf32>,
      tpu.vector_store %arg17[%swap3A_142], %gather3A_141 {strides = array<i32>} : memref<128xf32, #tpu.memory_space<vmem>>, vector<16xf32>,
      %get3A_144 = arith.constant 16 : index
      %get3A_145 = tpu.vector_load %arg13[%get3A_144] {strides = array<i32>} : memref<128xi32, #tpu.memory_space<vmem>>, vector<16xi32>,
      %gather3A_146 = tpu.vector_load_idx %arg18[%get3A_145] : memref<10000xf32, #tpu.memory_space<vmem>>[vector<16xi32>], vector<16xf32>,
      %swap3A_147 = arith.constant 16 : index
      %swap3A_148 = tpu.vector_load %arg17[%swap3A_147] {strides = array<i32>} : memref<128xf32, #tpu.memory_space<vmem>>, vector<16xf32>,
      tpu.vector_store %arg17[%swap3A_147], %gather3A_146 {strides = array<i32>} : memref<128xf32, #tpu.memory_space<vmem>>, vector<16xf32>,
      %get3A_149 = arith.constant 32 : index
      %get3A_150 = tpu.vector_load %arg13[%get3A_149] {strides = array<i32>} : memref<128xi32, #tpu.memory_space<vmem>>, vector<16xi32>,
      %gather3A_151 = tpu.vector_load_idx %arg18[%get3A_150] : memref<10000xf32, #tpu.memory_space<vmem>>[vector<16xi32>], vector<16xf32>,
      %swap3A_152 = arith.constant 32 : index
      %swap3A_153 = tpu.vector_load %arg17[%swap3A_152] {strides = array<i32>} : memref<128xf32, #tpu.memory_space<vmem>>, vector<16xf32>,
      tpu.vector_store %arg17[%swap3A_152], %gather3A_151 {strides = array<i32>} : memref<128xf32, #tpu.memory_space<vmem>>, vector<16xf32>,
      %get3A_154 = arith.constant 48 : index
      %get3A_155 = tpu.vector_load %arg13[%get3A_154] {strides = array<i32>} : memref<128xi32, #tpu.memory_space<vmem>>, vector<16xi32>,
      %gather3A_156 = tpu.vector_load_idx %arg18[%get3A_155] : memref<10000xf32, #tpu.memory_space<vmem>>[vector<16xi32>], vector<16xf32>,
      %swap3A_157 = arith.constant 48 : index
      %swap3A_158 = tpu.vector_load %arg17[%swap3A_157] {strides = array<i32>} : memref<128xf32, #tpu.memory_space<vmem>>, vector<16xf32>,
      tpu.vector_store %arg17[%swap3A_157], %gather3A_156 {strides = array<i32>} : memref<128xf32, #tpu.memory_space<vmem>>, vector<16xf32>,
      %get3A_159 = arith.constant 64 : index
      %get3A_160 = tpu.vector_load %arg13[%get3A_159] {strides = array<i32>} : memref<128xi32, #tpu.memory_space<vmem>>, vector<16xi32>,
      %gather3A_161 = tpu.vector_load_idx %arg18[%get3A_160] : memref<10000xf32, #tpu.memory_space<vmem>>[vector<16xi32>], vector<16xf32>,
      %swap3A_162 = arith.constant 64 : index
      %swap3A_163 = tpu.vector_load %arg17[%swap3A_162] {strides = array<i32>} : memref<128xf32, #tpu.memory_space<vmem>>, vector<16xf32>,
      tpu.vector_store %arg17[%swap3A_162], %gather3A_161 {strides = array<i32>} : memref<128xf32, #tpu.memory_space<vmem>>, vector<16xf32>,
      %get3A_164 = arith.constant 80 : index
      %get3A_165 = tpu.vector_load %arg13[%get3A_164] {strides = array<i32>} : memref<128xi32, #tpu.memory_space<vmem>>, vector<16xi32>,
      %gather3A_166 = tpu.vector_load_idx %arg18[%get3A_165] : memref<10000xf32, #tpu.memory_space<vmem>>[vector<16xi32>], vector<16xf32>,
      %swap3A_167 = arith.constant 80 : index
      %swap3A_168 = tpu.vector_load %arg17[%swap3A_167] {strides = array<i32>} : memref<128xf32, #tpu.memory_space<vmem>>, vector<16xf32>,
      tpu.vector_store %arg17[%swap3A_167], %gather3A_166 {strides = array<i32>} : memref<128xf32, #tpu.memory_space<vmem>>, vector<16xf32>,
      %get3A_169 = arith.constant 96 : index
      %get3A_170 = tpu.vector_load %arg13[%get3A_169] {strides = array<i32>} : memref<128xi32, #tpu.memory_space<vmem>>, vector<16xi32>,
      %gather3A_171 = tpu.vector_load_idx %arg18[%get3A_170] : memref<10000xf32, #tpu.memory_space<vmem>>[vector<16xi32>], vector<16xf32>,
      %swap3A_172 = arith.constant 96 : index
      %swap3A_173 = tpu.vector_load %arg17[%swap3A_172] {strides = array<i32>} : memref<128xf32, #tpu.memory_space<vmem>>, vector<16xf32>,
      tpu.vector_store %arg17[%swap3A_172], %gather3A_171 {strides = array<i32>} : memref<128xf32, #tpu.memory_space<vmem>>, vector<16xf32>,
      %get3A_174 = arith.constant 112 : index
      %get3A_175 = tpu.vector_load %arg13[%get3A_174] {strides = array<i32>} : memref<128xi32, #tpu.memory_space<vmem>>, vector<16xi32>,
      %gather3A_176 = tpu.vector_load_idx %arg18[%get3A_175] : memref<10000xf32, #tpu.memory_space<vmem>>[vector<16xi32>], vector<16xf32>,
      %swap3A_177 = arith.constant 112 : index
      %swap3A_178 = tpu.vector_load %arg17[%swap3A_177] {strides = array<i32>} : memref<128xf32, #tpu.memory_space<vmem>>, vector<16xf32>,
      tpu.vector_store %arg17[%swap3A_177], %gather3A_176 {strides = array<i32>} : memref<128xf32, #tpu.memory_space<vmem>>, vector<16xf32>,
      %dma_start3A_179 = arith.constant 0 : i32
      %dma_start3A_180 = tpu.memref_slice %arg20[%dma_start3A_179] : memref<10240xf32, #tpu.memory_space<vmem_shared>> -> memref<10240xf32, #tpu.memory_space<vmem_shared>>
      tpu.enqueue_indirect_dma source(%arg17 : memref<128xf32, #tpu.memory_space<vmem>>) target(%dma_start3A_180 : memref<10240xf32, #tpu.memory_space<vmem_shared>>) offsets(%arg11 : memref<128xi32, #tpu.memory_space<vmem>>) semaphore(%arg28 : memref<!tpu.dma_semaphore, #tpu.memory_space<semaphore_mem>>) {add = true}
    }
    %dma_wait3A = arith.constant 0 : i32
    %dma_wait3A_37 = arith.constant 0 : i32
    %dma_wait3A_38 = tpu.memref_slice %arg19[%dma_wait3A, %dma_wait3A_37] : memref<10240x128xf32, #tpu.memory_space<vmem_shared>> -> memref<10240x128xf32, #tpu.memory_space<vmem_shared>>
    tpu.wait_indirect_dma semaphore(%arg24 : memref<!tpu.dma_semaphore, #tpu.memory_space<semaphore_mem>>) src(%arg15 : memref<128x128xf32, #tpu.memory_space<vmem>>) dst(%dma_wait3A_38 : memref<10240x128xf32, #tpu.memory_space<vmem_shared>>)
    %dma_wait3A_39 = arith.constant 0 : i32
    %dma_wait3A_40 = tpu.memref_slice %arg20[%dma_wait3A_39] : memref<10240xf32, #tpu.memory_space<vmem_shared>> -> memref<10240xf32, #tpu.memory_space<vmem_shared>>
    tpu.wait_indirect_dma semaphore(%arg28 : memref<!tpu.dma_semaphore, #tpu.memory_space<semaphore_mem>>) src(%arg17 : memref<128xf32, #tpu.memory_space<vmem>>) dst(%dma_wait3A_40 : memref<10240xf32, #tpu.memory_space<vmem_shared>>)
    %barrier3A_41 = arith.constant 0 : index
    tpu.barrier barrier_id(%barrier3A_41)
    %mul3A_42 = arith.constant 640 : i32
    %mul3A_43 = arith.muli %arg1, %mul3A_42 : i32
    %mul3A_44 = arith.constant 640 : i32
    %mul3A_45 = arith.muli %arg1, %mul3A_44 : i32
    "tpu.region"() ({
      %run_scoped3A = tpu.sem_alloc : memref<!tpu.dma_semaphore, #tpu.memory_space<semaphore_mem>>
      %dma_start3A_50 = arith.constant 0 : i32
      %dma_start3A_51 = arith.constant 0 : i32
      %dma_start3A_52 = tpu.memref_slice %arg8[%arg0, %dma_start3A_50, %dma_start3A_51] : memref<2x10240x128xf32, #tpu.memory_space<hbm>> -> memref<1x10240x128xf32, #tpu.memory_space<hbm>>
      %dma_start3A_53 = tpu.memref_squeeze %dma_start3A_52 : memref<1x10240x128xf32, #tpu.memory_space<hbm>> -> memref<10240x128xf32, #tpu.memory_space<hbm>>
      %dma_start3A_54 = arith.constant 0 : i32
      %dma_start3A_55 = tpu.memref_slice %dma_start3A_53[%mul3A_45, %dma_start3A_54] : memref<10240x128xf32, #tpu.memory_space<hbm>> -> memref<640x128xf32, #tpu.memory_space<hbm>>
      %dma_start3A_56 = arith.constant 0 : i32
      %dma_start3A_57 = tpu.memref_slice %arg19[%mul3A_43, %dma_start3A_56] : memref<10240x128xf32, #tpu.memory_space<vmem_shared>> -> memref<640x128xf32, #tpu.memory_space<vmem_shared>>
      tpu.enqueue_dma source(%dma_start3A_57 : memref<640x128xf32, #tpu.memory_space<vmem_shared>>) target(%dma_start3A_55 : memref<640x128xf32, #tpu.memory_space<hbm>>) target_semaphore(%run_scoped3A : memref<!tpu.dma_semaphore, #tpu.memory_space<semaphore_mem>>)
      %dma_wait3A_58 = arith.constant 0 : i32
      %dma_wait3A_59 = arith.constant 0 : i32
      %dma_wait3A_60 = tpu.memref_slice %arg8[%arg0, %dma_wait3A_58, %dma_wait3A_59] : memref<2x10240x128xf32, #tpu.memory_space<hbm>> -> memref<1x10240x128xf32, #tpu.memory_space<hbm>>
      %dma_wait3A_61 = tpu.memref_squeeze %dma_wait3A_60 : memref<1x10240x128xf32, #tpu.memory_space<hbm>> -> memref<10240x128xf32, #tpu.memory_space<hbm>>
      %dma_wait3A_62 = arith.constant 0 : i32
      %dma_wait3A_63 = tpu.memref_slice %dma_wait3A_61[%mul3A_45, %dma_wait3A_62] : memref<10240x128xf32, #tpu.memory_space<hbm>> -> memref<640x128xf32, #tpu.memory_space<hbm>>
      %dma_wait3A_64 = arith.constant 0 : i32
      %dma_wait3A_65 = tpu.memref_slice %arg19[%mul3A_43, %dma_wait3A_64] : memref<10240x128xf32, #tpu.memory_space<vmem_shared>> -> memref<640x128xf32, #tpu.memory_space<vmem_shared>>
      tpu.wait_dma2 semaphore(%run_scoped3A : memref<!tpu.dma_semaphore, #tpu.memory_space<semaphore_mem>>) src(%dma_wait3A_65 : memref<640x128xf32, #tpu.memory_space<vmem_shared>>) dst(%dma_wait3A_63 : memref<640x128xf32, #tpu.memory_space<hbm>>)
      tpu.yield
    }) : () -> ()
    %mul3A_46 = arith.constant 640 : i32
    %mul3A_47 = arith.muli %arg1, %mul3A_46 : i32
    %mul3A_48 = arith.constant 640 : i32
    %mul3A_49 = arith.muli %arg1, %mul3A_48 : i32
    "tpu.region"() ({
      %run_scoped3A = tpu.sem_alloc : memref<!tpu.dma_semaphore, #tpu.memory_space<semaphore_mem>>
      %dma_start3A_50 = arith.constant 0 : i32
      %dma_start3A_51 = tpu.memref_slice %arg9[%arg0, %dma_start3A_50] : memref<2x10240xf32, #tpu.memory_space<hbm>> -> memref<1x10240xf32, #tpu.memory_space<hbm>>
      %dma_start3A_52 = tpu.memref_squeeze %dma_start3A_51 : memref<1x10240xf32, #tpu.memory_space<hbm>> -> memref<10240xf32, #tpu.memory_space<hbm>>
      %dma_start3A_53 = tpu.memref_slice %dma_start3A_52[%mul3A_49] : memref<10240xf32, #tpu.memory_space<hbm>> -> memref<640xf32, #tpu.memory_space<hbm>>
      %dma_start3A_54 = tpu.memref_slice %arg20[%mul3A_47] : memref<10240xf32, #tpu.memory_space<vmem_shared>> -> memref<640xf32, #tpu.memory_space<vmem_shared>>
      tpu.enqueue_dma source(%dma_start3A_54 : memref<640xf32, #tpu.memory_space<vmem_shared>>) target(%dma_start3A_53 : memref<640xf32, #tpu.memory_space<hbm>>) target_semaphore(%run_scoped3A : memref<!tpu.dma_semaphore, #tpu.memory_space<semaphore_mem>>)
      %dma_wait3A_55 = arith.constant 0 : i32
      %dma_wait3A_56 = tpu.memref_slice %arg9[%arg0, %dma_wait3A_55] : memref<2x10240xf32, #tpu.memory_space<hbm>> -> memref<1x10240xf32, #tpu.memory_space<hbm>>
      %dma_wait3A_57 = tpu.memref_squeeze %dma_wait3A_56 : memref<1x10240xf32, #tpu.memory_space<hbm>> -> memref<10240xf32, #tpu.memory_space<hbm>>
      %dma_wait3A_58 = tpu.memref_slice %dma_wait3A_57[%mul3A_49] : memref<10240xf32, #tpu.memory_space<hbm>> -> memref<640xf32, #tpu.memory_space<hbm>>
      %dma_wait3A_59 = tpu.memref_slice %arg20[%mul3A_47] : memref<10240xf32, #tpu.memory_space<vmem_shared>> -> memref<640xf32, #tpu.memory_space<vmem_shared>>
      tpu.wait_dma2 semaphore(%run_scoped3A : memref<!tpu.dma_semaphore, #tpu.memory_space<semaphore_mem>>) src(%dma_wait3A_59 : memref<640xf32, #tpu.memory_space<vmem_shared>>) dst(%dma_wait3A_58 : memref<640xf32, #tpu.memory_space<hbm>>)
      tpu.yield
    }) : () -> ()
    return
  }
}

module attributes {stable_mosaic.version = 14 : i64} {
  func.func @_tc_prep_body(%arg0: memref<10240x1xf32, #tpu.memory_space<vmem>>, %arg1: memref<10240x1xf32, #tpu.memory_space<vmem>>, %arg2: memref<10000x128xf32, #tpu.memory_space<vmem>>, %arg3: memref<10000x1xf32, #tpu.memory_space<vmem>>, %arg4: memref<10000x128xf32, #tpu.memory_space<vmem>>) attributes {dimension_semantics = [], scalar_prefetch = 0 : i64, scratch_operands = 0 : i64, tpu.core_type = #tpu.core_type<tc>} {
    %get3A = arith.constant 0 : index
    %get3A_0 = arith.constant 0 : index
    %get3A_1 = vector.load %arg0[%get3A, %get3A_0] : memref<10240x1xf32, #tpu.memory_space<vmem>>, vector<10240x1xf32>
    %get3A_2 = arith.constant 0 : index
    %get3A_3 = arith.constant 0 : index
    %get3A_4 = vector.load %arg1[%get3A_2, %get3A_3] : memref<10240x1xf32, #tpu.memory_space<vmem>>, vector<10240x1xf32>
    %add3A = arith.addf %get3A_1, %get3A_4 : vector<10240x1xf32>
    %add3A_5 = arith.constant 1.000000e+00 : f32
    %add3A_6 = vector.broadcast %add3A_5 : f32 to vector<10240x1xf32>
    %add3A_7 = arith.addf %add3A, %add3A_6 : vector<10240x1xf32>
    %slice3A = vector.extract_strided_slice %add3A_7 {offsets = [0, 0], sizes = [10000, 1], strides = [1, 1]} : vector<10240x1xf32> to vector<10000x1xf32>
    %rsqrt3A = math.rsqrt %slice3A : vector<10000x1xf32>
    %swap3A = arith.constant 0 : index
    %swap3A_8 = arith.constant 0 : index
    %swap3A_9 = vector.load %arg3[%swap3A, %swap3A_8] : memref<10000x1xf32, #tpu.memory_space<vmem>>, vector<10000x1xf32>
    tpu.vector_store %arg3[%swap3A, %swap3A_8], %rsqrt3A {strides = array<i32>} : memref<10000x1xf32, #tpu.memory_space<vmem>>, vector<10000x1xf32>,
    %get3A_10 = arith.constant 0 : index
    %get3A_11 = arith.constant 0 : index
    %get3A_12 = vector.load %arg2[%get3A_10, %get3A_11] : memref<10000x128xf32, #tpu.memory_space<vmem>>, vector<10000x128xf32>
    %mul3A = vector.broadcast %rsqrt3A : vector<10000x1xf32> to vector<10000x128xf32>
    %mul3A_13 = arith.mulf %get3A_12, %mul3A : vector<10000x128xf32>
    %swap3A_14 = arith.constant 0 : index
    %swap3A_15 = arith.constant 0 : index
    %swap3A_16 = vector.load %arg4[%swap3A_14, %swap3A_15] : memref<10000x128xf32, #tpu.memory_space<vmem>>, vector<10000x128xf32>
    tpu.vector_store %arg4[%swap3A_14, %swap3A_15], %mul3A_13 {strides = array<i32>} : memref<10000x128xf32, #tpu.memory_space<vmem>>, vector<10000x128xf32>,
    return
  }
}

module attributes {stable_mosaic.version = 14 : i64} {
  func.func @_tc_main_body(%arg0: i32, %arg1: memref<2000x128xf32, #tpu.memory_space<vmem>>, %arg2: memref<2000x128xf32, #tpu.memory_space<vmem>>, %arg3: memref<2000x128xf32, #tpu.memory_space<vmem>>, %arg4: memref<2000x1xf32, #tpu.memory_space<vmem>>, %arg5: memref<2000x1xf32, #tpu.memory_space<vmem>>, %arg6: memref<2000x1xf32, #tpu.memory_space<vmem>>, %arg7: memref<128x256xf32, #tpu.memory_space<vmem>>, %arg8: memref<1x256xf32, #tpu.memory_space<vmem>>, %arg9: memref<256x128xf32, #tpu.memory_space<vmem>>, %arg10: memref<1x128xf32, #tpu.memory_space<vmem>>, %arg11: memref<1x128xf32, #tpu.memory_space<vmem>>, %arg12: memref<1x256xf32, #tpu.memory_space<vmem>>) attributes {dimension_semantics = [#tpu.dimension_semantics<arbitrary>], iteration_bounds = array<i64: 5>, scalar_prefetch = 0 : i64, scratch_operands = 1 : i64, tpu.core_type = #tpu.core_type<tc>, window_params = [{transform_indices = @transform_0, window_bounds = array<i64: 2000, 128>}, {transform_indices = @transform_1, window_bounds = array<i64: 2000, 128>}, {transform_indices = @transform_2, window_bounds = array<i64: 2000, 128>}, {transform_indices = @transform_3, window_bounds = array<i64: 2000, 1>}, {transform_indices = @transform_4, window_bounds = array<i64: 2000, 1>}, {transform_indices = @transform_5, window_bounds = array<i64: 2000, 1>}, {pipeline_mode = #tpu.pipeline_mode<synchronous>, transform_indices = @transform_6, window_bounds = array<i64: 128, 256>}, {pipeline_mode = #tpu.pipeline_mode<synchronous>, transform_indices = @transform_7, window_bounds = array<i64: 1, 256>}, {pipeline_mode = #tpu.pipeline_mode<synchronous>, transform_indices = @transform_8, window_bounds = array<i64: 256, 128>}, {pipeline_mode = #tpu.pipeline_mode<synchronous>, transform_indices = @transform_9, window_bounds = array<i64: 1, 128>}, {pipeline_mode = #tpu.pipeline_mode<synchronous>, transform_indices = @transform_10, window_bounds = array<i64: 1, 128>}]} {
    %get3A = arith.constant 0 : index
    %get3A_0 = arith.constant 0 : index
    %get3A_1 = vector.load %arg4[%get3A, %get3A_0] : memref<2000x1xf32, #tpu.memory_space<vmem>>, vector<2000x1xf32>
    %get3A_2 = arith.constant 0 : index
    %get3A_3 = arith.constant 0 : index
    %get3A_4 = vector.load %arg1[%get3A_2, %get3A_3] : memref<2000x128xf32, #tpu.memory_space<vmem>>, vector<2000x128xf32>
    %get3A_5 = arith.constant 0 : index
    %get3A_6 = arith.constant 0 : index
    %get3A_7 = vector.load %arg2[%get3A_5, %get3A_6] : memref<2000x128xf32, #tpu.memory_space<vmem>>, vector<2000x128xf32>
    %add3A = arith.addf %get3A_4, %get3A_7 : vector<2000x128xf32>
    %get3A_8 = arith.constant 0 : index
    %get3A_9 = arith.constant 0 : index
    %get3A_10 = vector.load %arg3[%get3A_8, %get3A_9] : memref<2000x128xf32, #tpu.memory_space<vmem>>, vector<2000x128xf32>
    %add3A_11 = arith.addf %add3A, %get3A_10 : vector<2000x128xf32>
    %mul3A = vector.broadcast %get3A_1 : vector<2000x1xf32> to vector<2000x128xf32>
    %mul3A_12 = arith.mulf %mul3A, %add3A_11 : vector<2000x128xf32>
    %get3A_13 = arith.constant 0 : index
    %get3A_14 = arith.constant 0 : index
    %get3A_15 = vector.load %arg7[%get3A_13, %get3A_14] : memref<128x256xf32, #tpu.memory_space<vmem>>, vector<128x256xf32>
    %dot_general3A = arith.constant dense<0.000000e+00> : vector<2000x256xf32>
    %dot_general3A_16 = tpu.matmul %mul3A_12, %get3A_15, %dot_general3A {dimension_numbers = #tpu.dot_dimension_numbers<[1], [0], [0], [1], [0, 0, 1, 1], [], []>, transpose_lhs_hint = false} : vector<2000x128xf32>, vector<128x256xf32>, vector<2000x256xf32> -> vector<2000x256xf32>
    %get3A_17 = arith.constant 0 : index
    %get3A_18 = arith.constant 0 : index
    %get3A_19 = vector.load %arg8[%get3A_17, %get3A_18] : memref<1x256xf32, #tpu.memory_space<vmem>>, vector<1x256xf32>
    %add3A_20 = vector.broadcast %get3A_19 : vector<1x256xf32> to vector<2000x256xf32>
    %add3A_21 = arith.addf %dot_general3A_16, %add3A_20 : vector<2000x256xf32>
    %max3A = arith.constant 0.000000e+00 : f32
    %max3A_22 = vector.broadcast %max3A : f32 to vector<2000x256xf32>
    %max3A_23 = arith.maximumf %add3A_21, %max3A_22 : vector<2000x256xf32>
    %get3A_24 = arith.constant 0 : index
    %get3A_25 = arith.constant 0 : index
    %get3A_26 = vector.load %arg5[%get3A_24, %get3A_25] : memref<2000x1xf32, #tpu.memory_space<vmem>>, vector<2000x1xf32>
    %get3A_27 = arith.constant 0 : index
    %get3A_28 = arith.constant 0 : index
    %get3A_29 = vector.load %arg6[%get3A_27, %get3A_28] : memref<2000x1xf32, #tpu.memory_space<vmem>>, vector<2000x1xf32>
    %add3A_30 = arith.addf %get3A_26, %get3A_29 : vector<2000x1xf32>
    %add3A_31 = arith.addf %add3A_30, %get3A_1 : vector<2000x1xf32>
    %mul3A_32 = arith.mulf %get3A_1, %add3A_31 : vector<2000x1xf32>
    %mul3A_33 = vector.broadcast %mul3A_32 : vector<2000x1xf32> to vector<2000x256xf32>
    %mul3A_34 = arith.mulf %max3A_23, %mul3A_33 : vector<2000x256xf32>
    %reduce_sum3A = arith.constant dense<0.000000e+00> : vector<256xf32>
    %reduce_sum3A_35 = vector.multi_reduction <add>, %mul3A_34, %reduce_sum3A [0] : vector<2000x256xf32> to vector<256xf32>
    %broadcast_in_dim3A = vector.shape_cast %reduce_sum3A_35 : vector<256xf32> to vector<1x256xf32>
    %eq3A = arith.constant 0 : i32
    %eq3A_36 = arith.cmpi eq, %arg0, %eq3A : i32
    %convert_element_type3A = arith.extui %eq3A_36 : i1 to i32
    %cond3A = arith.constant 0 : i32
    %cond3A_37 = arith.cmpi ne, %convert_element_type3A, %cond3A : i32
    scf.if %cond3A_37 {
      %swap3A = arith.constant 0 : index
      %swap3A_47 = arith.constant 0 : index
      %swap3A_48 = vector.load %arg12[%swap3A, %swap3A_47] : memref<1x256xf32, #tpu.memory_space<vmem>>, vector<1x256xf32>
      tpu.vector_store %arg12[%swap3A, %swap3A_47], %broadcast_in_dim3A {strides = array<i32>} : memref<1x256xf32, #tpu.memory_space<vmem>>, vector<1x256xf32>,
    } else {
    }
    %gt3A = arith.constant 0 : i32
    %gt3A_38 = arith.cmpi sgt, %arg0, %gt3A : i32
    %convert_element_type3A_39 = arith.extui %gt3A_38 : i1 to i32
    %cond3A_40 = arith.constant 0 : i32
    %cond3A_41 = arith.cmpi ne, %convert_element_type3A_39, %cond3A_40 : i32
    scf.if %cond3A_41 {
      %get3A_47 = arith.constant 0 : index
      %get3A_48 = arith.constant 0 : index
      %get3A_49 = vector.load %arg12[%get3A_47, %get3A_48] : memref<1x256xf32, #tpu.memory_space<vmem>>, vector<1x256xf32>
      %add3A_50 = arith.addf %get3A_49, %broadcast_in_dim3A : vector<1x256xf32>
      %swap3A = arith.constant 0 : index
      %swap3A_51 = arith.constant 0 : index
      %swap3A_52 = vector.load %arg12[%swap3A, %swap3A_51] : memref<1x256xf32, #tpu.memory_space<vmem>>, vector<1x256xf32>
      tpu.vector_store %arg12[%swap3A, %swap3A_51], %add3A_50 {strides = array<i32>} : memref<1x256xf32, #tpu.memory_space<vmem>>, vector<1x256xf32>,
    } else {
    }
    %eq3A_42 = arith.constant 4 : i32
    %eq3A_43 = arith.cmpi eq, %arg0, %eq3A_42 : i32
    %convert_element_type3A_44 = arith.extui %eq3A_43 : i1 to i32
    %cond3A_45 = arith.constant 0 : i32
    %cond3A_46 = arith.cmpi ne, %convert_element_type3A_44, %cond3A_45 : i32
    scf.if %cond3A_46 {
      %get3A_47 = arith.constant 0 : index
      %get3A_48 = arith.constant 0 : index
      %get3A_49 = vector.load %arg12[%get3A_47, %get3A_48] : memref<1x256xf32, #tpu.memory_space<vmem>>, vector<1x256xf32>
      %get3A_50 = arith.constant 0 : index
      %get3A_51 = arith.constant 0 : index
      %get3A_52 = vector.load %arg9[%get3A_50, %get3A_51] : memref<256x128xf32, #tpu.memory_space<vmem>>, vector<256x128xf32>
      %dot_general3A_53 = arith.constant dense<0.000000e+00> : vector<1x128xf32>
      %dot_general3A_54 = tpu.matmul %get3A_49, %get3A_52, %dot_general3A_53 {dimension_numbers = #tpu.dot_dimension_numbers<[1], [0], [0], [1], [0, 0, 1, 1], [], []>, transpose_lhs_hint = false} : vector<1x256xf32>, vector<256x128xf32>, vector<1x128xf32> -> vector<1x128xf32>
      %mul3A_55 = arith.constant 9.99999974E-5 : f32
      %mul3A_56 = vector.broadcast %mul3A_55 : f32 to vector<1x128xf32>
      %mul3A_57 = arith.mulf %dot_general3A_54, %mul3A_56 : vector<1x128xf32>
      %get3A_58 = arith.constant 0 : index
      %get3A_59 = arith.constant 0 : index
      %get3A_60 = vector.load %arg10[%get3A_58, %get3A_59] : memref<1x128xf32, #tpu.memory_space<vmem>>, vector<1x128xf32>
      %add3A_61 = arith.addf %mul3A_57, %get3A_60 : vector<1x128xf32>
      %swap3A = arith.constant 0 : index
      %swap3A_62 = arith.constant 0 : index
      %swap3A_63 = vector.load %arg11[%swap3A, %swap3A_62] : memref<1x128xf32, #tpu.memory_space<vmem>>, vector<1x128xf32>
      tpu.vector_store %arg11[%swap3A, %swap3A_62], %add3A_61 {strides = array<i32>} : memref<1x128xf32, #tpu.memory_space<vmem>>, vector<1x128xf32>,
    } else {
    }
    return
  }
  func.func @transform_0(%arg0: i32) -> (i32, i32) {
    %c0_i32 = arith.constant 0 : i32
    %c0_i32_0 = arith.constant 0 : i32
    return %arg0, %c0_i32 : i32, i32
  }
  func.func @transform_1(%arg0: i32) -> (i32, i32) {
    %c0_i32 = arith.constant 0 : i32
    %c0_i32_0 = arith.constant 0 : i32
    return %arg0, %c0_i32 : i32, i32
  }
  func.func @transform_2(%arg0: i32) -> (i32, i32) {
    %c0_i32 = arith.constant 0 : i32
    %c0_i32_0 = arith.constant 0 : i32
    return %arg0, %c0_i32 : i32, i32
  }
  func.func @transform_3(%arg0: i32) -> (i32, i32) {
    %c0_i32 = arith.constant 0 : i32
    %c0_i32_0 = arith.constant 0 : i32
    return %arg0, %c0_i32 : i32, i32
  }
  func.func @transform_4(%arg0: i32) -> (i32, i32) {
    %c0_i32 = arith.constant 0 : i32
    %c0_i32_0 = arith.constant 0 : i32
    return %arg0, %c0_i32 : i32, i32
  }
  func.func @transform_5(%arg0: i32) -> (i32, i32) {
    %c0_i32 = arith.constant 0 : i32
    %c0_i32_0 = arith.constant 0 : i32
    return %arg0, %c0_i32 : i32, i32
  }
  func.func @transform_6(%arg0: i32) -> (i32, i32) {
    %c0_i32 = arith.constant 0 : i32
    %c0_i32_0 = arith.constant 0 : i32
    %c0_i32_1 = arith.constant 0 : i32
    return %c0_i32, %c0_i32_0 : i32, i32
  }
  func.func @transform_7(%arg0: i32) -> (i32, i32) {
    %c0_i32 = arith.constant 0 : i32
    %c0_i32_0 = arith.constant 0 : i32
    %c0_i32_1 = arith.constant 0 : i32
    return %c0_i32, %c0_i32_0 : i32, i32
  }
  func.func @transform_8(%arg0: i32) -> (i32, i32) {
    %c0_i32 = arith.constant 0 : i32
    %c0_i32_0 = arith.constant 0 : i32
    %c0_i32_1 = arith.constant 0 : i32
    return %c0_i32, %c0_i32_0 : i32, i32
  }
  func.func @transform_9(%arg0: i32) -> (i32, i32) {
    %c0_i32 = arith.constant 0 : i32
    %c0_i32_0 = arith.constant 0 : i32
    %c0_i32_1 = arith.constant 0 : i32
    return %c0_i32, %c0_i32_0 : i32, i32
  }
  func.func @transform_10(%arg0: i32) -> (i32, i32) {
    %c0_i32 = arith.constant 0 : i32
    %c0_i32_0 = arith.constant 0 : i32
    %c0_i32_1 = arith.constant 0 : i32
    return %c0_i32, %c0_i32_0 : i32, i32
  }
}

</mosaic_0001>

<sc_bundles>
// kernel: kernel.6.cloned.1.call-start
scs
__scs_entry_jumppad:
0x0: {  	(pc) =	sbr.rel $0x88, $3  }
0x1: {  	(tag) =	ssettag $0x0;
	lr =	simm.s32 $0x1  }
0x2: {  	[smem:$0x3F9B] =	sst lr;
	_ =	strace $0xD0000000  }
0x3: {  	_ = 	snop  }
0x4: {  	_ = 	snop  }
0x5: {  	_ = 	snop  }
0x6: {  	_ = 	snop  }
0x7: {  	_ = 	snop  }
__scs_overlays_trampoline_lowered:
0x8: {  	[smem:$0x3FAA] =	sst s0  }
0x9: {  	[smem:$0x3FAB] =	sst s1  }
0xa: {  	[smem:$0x3FAC] =	sst s2  }
0xb: {  	[smem:$0x3FAD] =	sst s3  }
0xc: {  	[smem:$0x3FAE] =	sst s4  }
0xd: {  	[smem:$0x3FAF] =	sst s5  }
0xe: {  	[smem:$0x3FB0] =	sst s6  }
0xf: {  	[smem:$0x3FB1] =	sst s7  }
0x10: {  	[smem:$0x3FB2] =	sst s8  }
0x11: {  	[smem:$0x3FB3] =	sst s9;
	s0 =	simm.s32 @!p0 $0x0  }
0x12: {  	s1 =	sld [smem:$0x3F99];
	s0 =	simm.s32 @p0 $0x1  }
0x13: {  	[smem:$0x3FB4] =	sst s0;
	s0 =	simm.s32 @!p1 $0x0  }
0x14: {  	s2 =	sld [smem:$0x3F98];
	s0 =	simm.s32 @p1 $0x1  }
0x15: {  	[smem:$0x3FB5] =	sst s0;
	s0 =	simm.s32 @!p2 $0x0  }
0x16: {  	s3 =	sld [smem:$0x3FDB];
	s0 =	simm.s32 @p2 $0x1  }
0x17: {  	s4 =	simm.s32 $0x1BF5;
	[smem:$0x3FB7] =	sst s0  }
0x18: {  	s0 =	sld [smem:$0x3F9A];
	_ =	swait.ge [sflag:s4], $0x0  }
0x19: {  	s7 =	sld [smem:$0x3F9B]  }
0x1a: {  	s8 =	sadd.s32 $0xFFFFE003, lr  }
0x1b: {  	s9 =	sadd.s32 $0xFFFFFEF7, lr;
	s5 =	simm.s32 $0xFFFFFFFF;
	p2 =	slt.u32 s8, $0xFFFFF086  }
0x1c: {  	p1 =	slt.u32 s9, $0xF7A;
	s5 =	simm.s32 @!p2 $0x0  }
0x1d: {  	s5 =	simm.s32 @p1 $0x1;
	p0 =	seq.s32 s7, s2  }
0x1e: {  	s7 =	smul.u32 @!p0 $0xF7A, s2;
	p2 =	seq.s32 @!p0 s5, $0x0  }
0x1f: {  	s9 =	smul.u32 $0xF7A, s1;
	s8 =	simm.s32 @!p0 $0x1BF5;
	p2 =	por !p2, p0  }
0x20: {  	[sflag:s8] =	ssyncset.s32 @!p0 $0xFFFFF086;
	s6 =	sadd.s32 @!p0 s3, s7;
	s7 =	simm.s32 @!p0 $0x108  }
0x21: {  	s3 =	sadd.s32 s3, s9;
	s6 =	sadd.s32 @!p0 $0x88, s6;
	s7 =	simm.s32 @p2 $0x1082  }
0x22: {  	[simem:s7], [sflag:s8] =	dma.local @!p0 [hbm:s6], $0xF7A  }
0x23: {  	s9 =	sor.u32 $0xD0000000, s2;
	s6 =	simm.s32 $0x108;
	_ =	swait.ge @!p0 [sflag:s8], $0x0  }
0x24: {  	s3 =	sadd.s32 $0x88, s3;
	s6 =	simm.s32 @!p1 $0x1082;
	[sflag:s4] =	ssyncset.s32 $0xFFFFF086  }
0x25: {  	[simem:s6], [sflag:s4] =	dma.local [hbm:s3], $0xF7A  }
0x26: {  	[smem:$0x3F9B] =	sst s1;
	(tag) =	ssettag s2;
	_ =	strace s9  }
0x27: {  	s1 =	sld [smem:$0x3FAB]  }
0x28: {  	s2 =	sld [smem:$0x3FAC]  }
0x29: {  	s4 =	sld [smem:$0x3FAE]  }
0x2a: {  	p0 =	seq.s32 s5, $0x0;
	s5 =	sld [smem:$0x3FAF]  }
0x2b: {  	s6 =	sld [smem:$0x3FB0]  }
0x2c: {  	s7 =	sld [smem:$0x3FB1]  }
0x2d: {  	s3 =	simm.s32 $0x108;
	s8 =	sld [smem:$0x3FB2]  }
0x2e: {  	s3 =	simm.s32 @!p0 $0x1082;
	s9 =	sld [smem:$0x3FB3]  }
0x2f: {  	lr =	sadd.s32 s0, s3;
	s0 =	sld [smem:$0x3FAA]  }
0x30: {  	s3 =	sld [smem:$0x3FAD]  }
0x31: {  	[smem:$0x3FB6] =	sst s10  }
0x32: {  	s10 =	sld [smem:$0x3FB4];
	_ =	sdelay $0x3  }
0x33: {  	p0 =	seq.s32 s10, $0x1;
	s10 =	sld [smem:$0x3FB6];
	_ =	sdelay $0x3  }
0x34: {  	[smem:$0x3FB6] =	sst s10  }
0x35: {  	s10 =	sld [smem:$0x3FB5];
	_ =	sdelay $0x3  }
0x36: {  	p1 =	seq.s32 s10, $0x1;
	s10 =	sld [smem:$0x3FB6];
	_ =	sdelay $0x3  }
0x37: {  	[smem:$0x3FB6] =	sst s10  }
0x38: {  	s10 =	sld [smem:$0x3FB7]  }
0x39: {  	_ = 	snop;
	(pc) =	sbr.ind lr, $3  }
0x3a: {  	_ = 	snop  }
0x3b: {  	_ = 	snop  }
0x3c: {  	p2 =	seq.s32 s10, $0x1;
	s10 =	sld [smem:$0x3FB6]  }
0x3d: {  	_ =	shalt  }
0x3e: {  	_ =	shalt  }
0x3f: {  	_ =	shalt  }
0x40: {  	_ =	shalt  }
0x41: {  	_ =	shalt  }
0x42: {  	_ =	shalt  }
0x43: {  	_ =	shalt  }
0x44: {  	_ =	shalt  }
0x45: {  	_ =	shalt  }
0x46: {  	_ =	shalt  }
0x47: {  	_ =	shalt  }
0x48: {  	_ =	shalt  }
0x49: {  	_ =	shalt  }
0x4a: {  	_ =	shalt  }
0x4b: {  	_ =	shalt  }
0x4c: {  	_ =	shalt  }
0x4d: {  	_ =	shalt  }
0x4e: {  	_ =	shalt  }
0x4f: {  	_ =	shalt  }
0x50: {  	_ =	shalt  }
0x51: {  	_ =	shalt  }
0x52: {  	_ =	shalt  }
0x53: {  	_ =	shalt  }
0x54: {  	_ =	shalt  }
0x55: {  	_ =	shalt  }
0x56: {  	_ =	shalt  }
0x57: {  	_ =	shalt  }
0x58: {  	_ =	shalt  }
0x59: {  	_ =	shalt  }
0x5a: {  	_ =	shalt  }
0x5b: {  	_ =	shalt  }
0x5c: {  	_ =	shalt  }
0x5d: {  	_ =	shalt  }
0x5e: {  	_ =	shalt  }
0x5f: {  	_ =	shalt  }
0x60: {  	_ =	shalt  }
0x61: {  	_ =	shalt  }
0x62: {  	_ =	shalt  }
0x63: {  	_ =	shalt  }
0x64: {  	_ =	shalt  }
0x65: {  	_ =	shalt  }
0x66: {  	_ =	shalt  }
0x67: {  	_ =	shalt  }
0x68: {  	_ =	shalt  }
0x69: {  	_ =	shalt  }
0x6a: {  	_ =	shalt  }
0x6b: {  	_ =	shalt  }
0x6c: {  	_ =	shalt  }
0x6d: {  	_ =	shalt  }
0x6e: {  	_ =	shalt  }
0x6f: {  	_ =	shalt  }
0x70: {  	_ =	shalt  }
0x71: {  	_ =	shalt  }
0x72: {  	_ =	shalt  }
0x73: {  	_ =	shalt  }
0x74: {  	_ =	shalt  }
0x75: {  	_ =	shalt  }
0x76: {  	_ =	shalt  }
0x77: {  	_ =	shalt  }
0x78: {  	_ =	shalt  }
0x79: {  	_ =	shalt  }
0x7a: {  	_ =	shalt  }
0x7b: {  	_ =	shalt  }
0x7c: {  	_ =	shalt  }
0x7d: {  	_ =	shalt  }
0x7e: {  	_ =	shalt  }
0x7f: {  	_ =	shalt  }
0x80: {  	_ =	shalt  }
0x81: {  	_ =	shalt  }
0x82: {  	_ =	shalt  }
0x83: {  	_ =	shalt  }
0x84: {  	_ =	shalt  }
0x85: {  	_ =	shalt  }
0x86: {  	_ =	shalt  }
0x87: {  	_ =	shalt  }
.Lfunc_end0:
.L_simem_size_0:
called_computation_lowered:
.L_overlay_start_0:
0x88: {  	s2 =	sld [smem:$0x3FD9]  }
0x89: {  	s3 =	sld [smem:$0x3FFE];
	_ =	sdelay $0x1  }
0x8a: {  	s1 =	srdreg.scid  }
0x8b: {  	s0 =	sand.u32 $0x1, s1  }
0x8c: {  	s16 =	sshll.u32 s0, $0xA;
	s2 =	sadd.s32 s3, s2  }
0x8d: {  	s2 =	sadd.s32 s2, s16  }
0x8e: {  	[smem:$0x3FC2] =	sst s2  }
0x8f: {  	_ = 	snop  }
0x90: {  	(tm) =	ssettm $0x1  }
0x91: {  	s17 =	sld [smem:$0x3FFB];
	_ =	sdelay $0x3  }
0x92: {  	_ =	strace s17  }
0x93: {  	s2 =	sld [smem:$0x3FFC];
	_ =	sdelay $0x3  }
0x94: {  	_ =	strace s2  }
0x95: {  	s2 =	sld [smem:$0x3FFD];
	_ =	sdelay $0x3  }
0x96: {  	_ =	strace s2  }
0x97: {  	_ =	strace $0x8FFFFFFF  }
0x98: {  	s18 =	sld [smem:$0x3FDB];
	_ =	sdelay $0x1  }
0x99: {  	s19 =	simm.s32 $_scs_section_size  }
0x9a: {  	s4 =	simm.s32 $_size__tile_overlayer_lowered;
	s5 =	simm.s32 $_tile_overlayer_lowered  }
0x9b: {  	s22 =	simm.s32 $0x1BFF;
	s21 =	sshll.u32 s5, $0x1;
	s2 =	sadd.s32 s19, s18  }
0x9c: {  	s6 =	simm.s32 $0x0;
	s20 =	sshll.u32 s4, $0x1;
	s4 =	sadd.s32 s21, s2  }
0x9d: {  	[timem:s6], [sflag:s22] =	dma.local [hbm:s4], s20  }
0x9e: {  	_ =	swait.ge [sflag:s22], s20  }
0x9f: {  	s3 =	ssub.s32 $0x0, s20;
	[sflag:s22] =	ssyncset.done $0x0  }
0xa0: {  	[sflag:s22] =	ssyncadd.s32 s3;
	_ =	sdelay $0x1  }
0xa1: {  	s23 =	simm.s32 $0x1B8B  }
0xa2: {  	_ =	swait.ge [sflag:s23], $0x1  }
0xa3: {  	[sflag:s23] =	ssyncset.done $0x0  }
0xa4: {  	s25 =	simm.s32 $0x1B8E;
	s24 =	sld [smem:$0x3FFE];
	[sflag:s23] =	ssyncadd.s32 $0xFFFFFFFF  }
0xa5: {  	s26 =	simm.s32 $execute0_lowered;
	[smem:$0x3FD2] =	sst s25  }
0xa6: {  	s4 =	sshll.u32 s26, $0x1;
	_ =	strace $0x80000046;
	[dreg:$0x1] =	wrdreg $0xFFFFFFFF  }
0xa7: {  	s28 =	simm.s32 $_size_execute0_lowered;
	s2 =	sadd.s32 s2, s4;
	[dreg:$0x0] =	wrdreg $0x0  }
0xa8: {  	s4 =	sshll.u32 s28, $0x1;
	[dreg:$0x2] =	wrdreg s2  }
0xa9: {  	[dreg:$0x3] =	wrdreg s4  }
0xaa: {  	[dreg:$0x4] =	wrdreg $0xC0  }
0xab: {  	_ =	task [dreg:s6], $0x5FFFF  }
0xac: {  	[dreg:$0x1] =	wrdreg $0xFFFFFFFF  }
0xad: {  	[dreg:$0x0] =	wrdreg $0x60  }
0xae: {  	[dreg:$0x2] =	wrdreg s24  }
0xaf: {  	[dreg:$0x3] =	wrdreg $0x29000  }
0xb0: {  	[dreg:$0x4] =	wrdreg $0x9  }
0xb1: {  	_ =	task.clear_ibuf [dreg:s6], $0x5FFFF;
	_ =	strace $0x90000046  }
0xb2: {  	s29 =	simm.s32 $0x9;
	_ =	strace $0x80000048  }
0xb3: {  	_ =	swait.ge [sflag:s29], $0x1  }
0xb4: {  	[sflag:s29] =	ssyncadd.s32 $0xFFFFFFFF  }
0xb5: {  	_ =	strace $0x90000048  }
0xb6: {  	_ =	sfence  }
0xb7: {  	s30 =	sld [smem:$0x0];
	_ =	sdelay $0x2  }
0xb8: {  	s31 =	sshll.u32 s1, $0xD;
	s1 =	sshrl.u32 s1, $0x2  }
0xb9: {  	s3 =	sand.u32 $0x4000, s31;
	s1 =	sadd.s32 s1, s30  }
0xba: {  	s0 =	sor.u32 s3, s0;
	s1 =	sshll.u32 s1, $0x11  }
0xbb: {  	s0 =	sor.u32 s1, s0  }
0xbc: {  	s0 =	sadd.s32 $0x8F2B, s0  }
0xbd: {  	[sflag:s0] =	ssyncadd.remote.s32 $0x1  }
0xbe: {  	_ =	sfence.sel $0xFFFF  }
0xbf: {  	[dreg:$0x0] =	wrdreg $0xFFFFFFFF;
	(pc) =	sbr.abs _section_cstart, $3  }
0xc0: {  	[dreg:$0x1] =	wrdreg $0xFFFFFFFF  }
0xc1: {  	_ =	task.clear_ibuf [dreg:s6], $0x2FFFF;
	_ =	strace $0x9FFFFFFF  }
0xc2: {  	(tm) =	ssettm $0x7FFFFFFF  }
0xc3: {  	_ =	shalt  }
tec
execute0_lowered:
.L_overlay_start_1:
0x0: {  	(tag) =	ssettag $0x1  }
0x1: {  	s1 =	srdreg.scid;
	s5 =	rddreg [dreg:$0x0]  }
0x2: {  	s0 =	stileid.u32;
	s2 =	rddreg [dreg:$0x1]  }
0x3: {  	s3 =	simm.s32 $0x0;
	s12 =	simm.s32 $0x2780;
	s13 =	simm.s32 $0x2880  }
0x4: {  	s14 =	simm.s32 $0x2800;
	s15 =	simm.s32 $0x1;
	s16 =	simm.s32 $0x2  }
0x5: {  	s19 =	simm.s32 $0x10;
	s20 =	simm.s32 $0x0;
	s4 =	sand.u32 $0x1, s1  }
0x6: {  	s26 =	sshll.u32 s0, $0x1;
	s1 =	rddreg [dreg:$0x2];
	s28 =	smul.u32 $0x280, s0  }
0x7: {  	[smem:$0x7FF] =	sst s3;
	s30 =	sshll.u32 s0, $0x6;
	s18 =	smul.u32 $0xA0, s0  }
0x8: {  	p0 =	sgt.u32 s0, $0x1;
	s6 =	sor.u32 s4, s26;
	_ =	strace $0x80000047  }
0x9: {  	s9 =	ssub.s32 $0x2, s4;
	s4 =	sshll.u32 s4, $0x4;
	s7 =	smul.u32 $0x4E, s6  }
0xa: {  	s6 =	smin.u32 s6, $0x4;
	s29 =	sshrl.u32 s28, $0x3;
	s10 =	sshrl.u32 s9, $0x1  }
0xb: {  	s11 =	sadd.s32 s4, s5;
	s31 =	sadd.s32 s28, s2;
	s9 =	ssub.s32 s9, s10  }
0xc: {  	s17 =	sadd.s32 $0x16400, s11;
	s10 =	simm.s32 $0x3;
	s6 =	sadd.s32 s6, s7  }
0xd: {  	s11 =	simm.s32 $0x80;
	s17 =	sadd.s32 s18, s17;
	s6 =	sshll.u32 s6, $0x4  }
0xe: {  	s18 =	simm.s32 $0x20;
	s8 =	sadd.s32 s6, s5;
	s6 =	sadd.s32 s29, s5  }
0xf: {  	s5 =	sor.u32 $0x1C03, s30;
	s4 =	sadd.s32 $0x15E00, s6;
	s6 =	sadd.s32 $0x2200, s8  }
0x10: {  	v0 =	vimm.f32 $1.000000000e+00;
	s7 =	sadd.s32 $0x26E0, s8;
	s8 =	smax.u32 s9, $0x1;
	s9 =	sshrl.u32 s31, $0x3  }
.LBB2_1:
0x11: {  	[tilespmem:$0x2880] =	vst v0  }
0x12: {  	[tilespmem:$0x2890] =	vst v0  }
0x13: {  	[tilespmem:$0x28A0] =	vst v0  }
0x14: {  	[tilespmem:$0x28B0] =	vst v0  }
0x15: {  	[tilespmem:$0x28C0] =	vst v0  }
0x16: {  	[tilespmem:$0x28D0] =	vst v0  }
0x17: {  	[tilespmem:$0x28E0] =	vst v0  }
0x18: {  	[tilespmem:$0x28F0] =	vst v0  }
0x19: {  	[spmem:s9], [sflag:s5] =	dma.local [hbm:s4], $0x50  }
0x1a: {  	_ =	swait.ge [sflag:s10], $0x50  }
0x1b: {  	[sflag:s10] =	ssyncset.done $0x0  }
0x1c: {  	[sflag:s10] =	ssyncadd.s32 $0xFFFFFFB0  }
0x1d: {  	[tilespmem:s3], [sflag:$0x3] =	stream.linear.gather [hbm4b:s6+s3], $0x2700, $0x38;
	[tilespmem:$0x2B80] =	vst v63  }
0x1e: {  	_ =	swait.ge [sflag:s10], $0x2700  }
0x1f: {  	[sflag:s10] =	ssyncset.done $0x0  }
0x20: {  	s21 =	simm.s32 @!p0 $0x0;
	s22 =	simm.s32 @!p0 $0x2700;
	[sflag:s10] =	ssyncadd.s32 $0xFFFFD900  }
0x21: {  	[tilespmem:s22], [sflag:$0x3] =	stream.linear.gather @!p0 [hbm4b:s7+s21], $0x80, $0x38;
	[tilespmem:$0x2B80] =	vst v63  }
0x22: {  	s21 =	simm.s32 @!p0 $0x3  }
0x23: {  	_ =	swait.ge @!p0 [sflag:s21], $0x80  }
0x24: {  	[sflag:s21] =	ssyncset.done @!p0 $0x0  }
0x25: {  	[sflag:s21] =	ssyncadd.s32 @!p0 $0xFFFFFF80  }
0x26: {  	[bflag:$0x0] =	sbarrier.arrive $0xFFFF  }
0x27: {  	v1 =	vld [tilespmem:$0x0]  }
0x28: {  	v2 =	vld [tilespmem:$0x10]  }
0x29: {  	v3 =	vld [tilespmem:$0x20]  }
0x2a: {  	v4 =	vld [tilespmem:$0x30]  }
0x2b: {  	v5 =	vld [tilespmem:$0x40]  }
0x2c: {  	[tilespmem:$0x2780] =	vst v1;
	v1 =	vld [tilespmem:$0x50]  }
0x2d: {  	[tilespmem:$0x2790] =	vst v2;
	v2 =	vld [tilespmem:$0x60]  }
0x2e: {  	[tilespmem:$0x27A0] =	vst v3;
	v3 =	vld [tilespmem:$0x70]  }
0x2f: {  	[tilespmem:$0x27B0] =	vst v4  }
0x30: {  	[tilespmem:$0x27C0] =	vst v5  }
0x31: {  	[tilespmem:$0x27D0] =	vst v1  }
0x32: {  	[tilespmem:$0x27E0] =	vst v2  }
0x33: {  	[tilespmem:$0x27F0] =	vst v3  }
0x34: {  	[spmem:s2] =	stream.indirect.scatter.add.f32 [tilespmem:s13], [sflag:$0x1], $0x1, s12, s11, $0xb8;
	[tilespmem:$0x2B80] =	vst v63  }
0x35: {  	v1 =	vld [tilespmem:$0x80]  }
0x36: {  	v2 =	vld [tilespmem:$0x90]  }
0x37: {  	v3 =	vld [tilespmem:$0xA0]  }
0x38: {  	v62 =	vld [tilespmem:$0xB0]  }
0x39: {  	v63 =	vld [tilespmem:$0xC0]  }
0x3a: {  	[tilespmem:$0x2800] =	vst v1;
	v1 =	vld [tilespmem:$0xD0]  }
0x3b: {  	[tilespmem:$0x2810] =	vst v2;
	v2 =	vld [tilespmem:$0xE0]  }
0x3c: {  	[tilespmem:$0x2820] =	vst v3;
	v3 =	vld [tilespmem:$0xF0]  }
0x3d: {  	[tilespmem:$0x2830] =	vst v62  }
0x3e: {  	[tilespmem:$0x2840] =	vst v63  }
0x3f: {  	[tilespmem:$0x2850] =	vst v1  }
0x40: {  	[tilespmem:$0x2860] =	vst v2  }
0x41: {  	[tilespmem:$0x2870] =	vst v3  }
0x42: {  	[spmem:s2] =	stream.indirect.scatter.add.f32 [tilespmem:s13], [sflag:$0x2], $0x1, s14, s11, $0xb8;
	[tilespmem:$0x2B80] =	vst v63  }
0x43: {  	_ =	swait.ge [sflag:s15], $0x80  }
0x44: {  	[sflag:s15] =	ssyncset.done $0x0  }
0x45: {  	s31 =	simm.s32 $0x1F0;
	[sflag:s15] =	ssyncadd.s32 $0xFFFFFF80  }
0x46: {  	v1 =	vld [tilespmem:s31+$0xFFFFFF10];
	_ =	sdelay $0x4  }
0x47: {  	[tilespmem:$0x2780] =	vst v1  }
0x48: {  	v1 =	vld [tilespmem:s31+$0xFFFFFF20];
	_ =	sdelay $0x4  }
0x49: {  	[tilespmem:$0x2790] =	vst v1  }
0x4a: {  	v1 =	vld [tilespmem:s31+$0xFFFFFF30];
	_ =	sdelay $0x4  }
0x4b: {  	[tilespmem:$0x27A0] =	vst v1  }
0x4c: {  	v1 =	vld [tilespmem:s31+$0xFFFFFF40];
	_ =	sdelay $0x4  }
0x4d: {  	[tilespmem:$0x27B0] =	vst v1  }
0x4e: {  	v1 =	vld [tilespmem:s31+$0xFFFFFF50];
	_ =	sdelay $0x4  }
0x4f: {  	[tilespmem:$0x27C0] =	vst v1  }
0x50: {  	v1 =	vld [tilespmem:s31+$0xFFFFFF60];
	_ =	sdelay $0x4  }
0x51: {  	[tilespmem:$0x27D0] =	vst v1  }
0x52: {  	v1 =	vld [tilespmem:s31+$0xFFFFFF70];
	_ =	sdelay $0x4  }
0x53: {  	[tilespmem:$0x27E0] =	vst v1  }
0x54: {  	v1 =	vld [tilespmem:s31+$0xFFFFFF80];
	_ =	sdelay $0x4  }
0x55: {  	[tilespmem:$0x27F0] =	vst v1  }
0x56: {  	[spmem:s2] =	stream.indirect.scatter.add.f32 [tilespmem:s13], [sflag:$0x1], $0x1, s12, s11, $0xb8;
	[tilespmem:$0x2B80] =	vst v63  }
0x57: {  	_ =	swait.ge [sflag:s16], $0x80  }
0x58: {  	[sflag:s16] =	ssyncset.done $0x0  }
0x59: {  	[sflag:s16] =	ssyncadd.s32 $0xFFFFFF80  }
0x5a: {  	v1 =	vld [tilespmem:s31+$0xFFFFFF90];
	_ =	sdelay $0x4  }
0x5b: {  	[tilespmem:$0x2800] =	vst v1  }
0x5c: {  	v1 =	vld [tilespmem:s31+$0xFFFFFFA0];
	_ =	sdelay $0x4  }
0x5d: {  	[tilespmem:$0x2810] =	vst v1  }
0x5e: {  	v1 =	vld [tilespmem:s31+$0xFFFFFFB0];
	_ =	sdelay $0x4  }
0x5f: {  	[tilespmem:$0x2820] =	vst v1  }
0x60: {  	v1 =	vld [tilespmem:s31+$0xFFFFFFC0];
	_ =	sdelay $0x4  }
0x61: {  	[tilespmem:$0x2830] =	vst v1  }
0x62: {  	v1 =	vld [tilespmem:s31+$0xFFFFFFD0];
	_ =	sdelay $0x4  }
0x63: {  	[tilespmem:$0x2840] =	vst v1  }
0x64: {  	v1 =	vld [tilespmem:s31+$0xFFFFFFE0];
	_ =	sdelay $0x4  }
0x65: {  	[tilespmem:$0x2850] =	vst v1  }
0x66: {  	v1 =	vld [tilespmem:s31+$0xFFFFFFF0];
	_ =	sdelay $0x4  }
0x67: {  	[tilespmem:$0x2860] =	vst v1  }
0x68: {  	v1 =	vld [tilespmem:s31+$0x0];
	_ =	sdelay $0x4  }
0x69: {  	s21 =	simm.s32 $0xBC0;
	[tilespmem:$0x2870] =	vst v1  }
.LBB2_2:
0x6a: {  	[spmem:s2] =	stream.indirect.scatter.add.f32 [tilespmem:s13], [sflag:$0x2], $0x1, s14, s11, $0xb8;
	[tilespmem:$0x2B80] =	vst v63  }
0x6b: {  	s22 =	smov.u32 s21  }
0x6c: {  	p1 =	sne.s32 s21, $0x9BC0;
	s21 =	sadd.s32 $0x400, s21;
	_ =	swait.ge [sflag:s15], $0x80  }
0x6d: {  	[sflag:s15] =	ssyncset.done $0x0  }
0x6e: {  	s22 =	sshra.s32 s22, $0x2;
	[sflag:s15] =	ssyncadd.s32 $0xFFFFFF80  }
0x6f: {  	v1 =	vld [tilespmem:s22+$0xFFFFFF10];
	_ =	sdelay $0x4  }
0x70: {  	[tilespmem:$0x2780] =	vst v1  }
0x71: {  	v1 =	vld [tilespmem:s22+$0xFFFFFF20];
	_ =	sdelay $0x4  }
0x72: {  	[tilespmem:$0x2790] =	vst v1  }
0x73: {  	v1 =	vld [tilespmem:s22+$0xFFFFFF30];
	_ =	sdelay $0x4  }
0x74: {  	[tilespmem:$0x27A0] =	vst v1  }
0x75: {  	v1 =	vld [tilespmem:s22+$0xFFFFFF40];
	_ =	sdelay $0x4  }
0x76: {  	[tilespmem:$0x27B0] =	vst v1  }
0x77: {  	v1 =	vld [tilespmem:s22+$0xFFFFFF50];
	_ =	sdelay $0x4  }
0x78: {  	[tilespmem:$0x27C0] =	vst v1  }
0x79: {  	v1 =	vld [tilespmem:s22+$0xFFFFFF60];
	_ =	sdelay $0x4  }
0x7a: {  	[tilespmem:$0x27D0] =	vst v1  }
0x7b: {  	v1 =	vld [tilespmem:s22+$0xFFFFFF70];
	_ =	sdelay $0x4  }
0x7c: {  	[tilespmem:$0x27E0] =	vst v1  }
0x7d: {  	v1 =	vld [tilespmem:s22+$0xFFFFFF80];
	_ =	sdelay $0x4  }
0x7e: {  	[tilespmem:$0x27F0] =	vst v1  }
0x7f: {  	[spmem:s2] =	stream.indirect.scatter.add.f32 [tilespmem:s13], [sflag:$0x1], $0x1, s12, s11, $0xb8;
	[tilespmem:$0x2B80] =	vst v63  }
0x80: {  	_ =	swait.ge [sflag:s16], $0x80  }
0x81: {  	[sflag:s16] =	ssyncset.done $0x0  }
0x82: {  	[sflag:s16] =	ssyncadd.s32 $0xFFFFFF80  }
0x83: {  	v1 =	vld [tilespmem:s22+$0xFFFFFF90];
	_ =	sdelay $0x4  }
0x84: {  	[tilespmem:$0x2800] =	vst v1  }
0x85: {  	v1 =	vld [tilespmem:s22+$0xFFFFFFA0];
	_ =	sdelay $0x4  }
0x86: {  	[tilespmem:$0x2810] =	vst v1  }
0x87: {  	v1 =	vld [tilespmem:s22+$0xFFFFFFB0];
	_ =	sdelay $0x4  }
0x88: {  	[tilespmem:$0x2820] =	vst v1  }
0x89: {  	v1 =	vld [tilespmem:s22+$0xFFFFFFC0];
	_ =	sdelay $0x4  }
0x8a: {  	[tilespmem:$0x2830] =	vst v1  }
0x8b: {  	v1 =	vld [tilespmem:s22+$0xFFFFFFD0];
	_ =	sdelay $0x4  }
0x8c: {  	[tilespmem:$0x2840] =	vst v1  }
0x8d: {  	v1 =	vld [tilespmem:s22+$0xFFFFFFE0];
	_ =	sdelay $0x4  }
0x8e: {  	[tilespmem:$0x2850] =	vst v1  }
0x8f: {  	v1 =	vld [tilespmem:s22+$0xFFFFFFF0];
	_ =	sdelay $0x4  }
0x90: {  	[tilespmem:$0x2860] =	vst v1  }
0x91: {  	v1 =	vld [tilespmem:s22+$0x0]  }
.Ltmp0:
0x92: {  	(pc) =	sbr.rel @p1 .LBB2_2-.Ltmp0, $2  }
0x93: {  	_ =	sdelay $0x2  }
0x94: {  	[tilespmem:$0x2870] =	vst v1  }
0x95: {  	[spmem:s2] =	stream.indirect.scatter.add.f32 [tilespmem:s13], [sflag:$0x2], $0x1, s14, s11, $0xb8;
	[tilespmem:$0x2B80] =	vst v63  }
0x96: {  	s21 =	simm.s32 @!p0 $0x1  }
0x97: {  	_ =	swait.ge @!p0 [sflag:s21], $0x80  }
0x98: {  	[sflag:s21] =	ssyncset.done @!p0 $0x0  }
0x99: {  	[sflag:s21] =	ssyncadd.s32 @!p0 $0xFFFFFF80  }
0x9a: {  	v1 =	vld @!p0 [tilespmem:$0x2700]  }
0x9b: {  	v2 =	vld @!p0 [tilespmem:$0x2710]  }
0x9c: {  	v3 =	vld @!p0 [tilespmem:$0x2720]  }
0x9d: {  	v4 =	vld @!p0 [tilespmem:$0x2730]  }
0x9e: {  	v5 =	vld @!p0 [tilespmem:$0x2740]  }
0x9f: {  	[tilespmem:$0x2780] =	vst @!p0 v1;
	v1 =	vld @!p0 [tilespmem:$0x2750]  }
0xa0: {  	[tilespmem:$0x2790] =	vst @!p0 v2;
	v2 =	vld @!p0 [tilespmem:$0x2760]  }
0xa1: {  	[tilespmem:$0x27A0] =	vst @!p0 v3;
	v3 =	vld @!p0 [tilespmem:$0x2770]  }
0xa2: {  	[tilespmem:$0x27B0] =	vst @!p0 v4  }
0xa3: {  	[tilespmem:$0x27C0] =	vst @!p0 v5  }
0xa4: {  	[tilespmem:$0x27D0] =	vst @!p0 v1  }
0xa5: {  	[tilespmem:$0x27E0] =	vst @!p0 v2  }
0xa6: {  	s22 =	simm.s32 @!p0 $0x2780;
	s23 =	simm.s32 @!p0 $0x2880;
	s21 =	simm.s32 @!p0 $0x80;
	[tilespmem:$0x27F0] =	vst @!p0 v3  }
0xa7: {  	[spmem:s2] =	stream.indirect.scatter.add.f32 @!p0 [tilespmem:s23], [sflag:$0x1], $0x1, s22, s21, $0xb8;
	[tilespmem:$0x2B80] =	vst v63  }
0xa8: {  	_ =	swait.ge [sflag:s15], $0x80  }
0xa9: {  	[sflag:s15] =	ssyncset.done $0x0  }
0xaa: {  	[sflag:s15] =	ssyncadd.s32 $0xFFFFFF80  }
0xab: {  	_ =	swait.ge [sflag:s16], $0x80  }
0xac: {  	s20 =	sadd.s32 $0x1, s20;
	[sflag:s16] =	ssyncset.done $0x0  }
0xad: {  	p1 =	sne.s32 s20, s8;
	[sflag:s16] =	ssyncadd.s32 $0xFFFFFF80  }
.Ltmp1:
0xae: {  	[bflag:$0x0] =	sbarrier.arrive $0xFFFF;
	(pc) =	sbr.rel @p1 .LBB2_1-.Ltmp1, $4  }
0xaf: {  	[hbm:s17@s18], [sflag:s5] =	dma.strided [spmem:s9@s19], $0x50, s15, $0x10   }
0xb0: {  	_ =	swait.ge [sflag:s10], $0x50  }
0xb1: {  	[sflag:s10] =	ssyncset.done $0x0  }
0xb2: {  	[sflag:s10] =	ssyncadd.s32 $0xFFFFFFB0  }
0xb3: {  	_ =	sfence.sel $0x180000  }
0xb4: {  	[bflag:$0x0] =	sbarrier.arrive $0xFFFF  }
0xb5: {  	p0 =	sne.s32 s0, $0x0;
	_ =	strace $0x90000047  }
0xb6: {  	s0 =	sadd.s32 @!p0 $0x100000, s1;
	[bflag:$0x2] =	sbarrier.arrive $0xFFFF  }
0xb7: {  	[sflag:s0] =	ssyncadd.tile.s32 @!p0 $0x1;
	_ =	shalt  }
.Lfunc_end2:
_tile_overlayer_lowered:
.L_overlay_start_2:
0xb8: {  	(tag) =	ssettag $0x2  }
0xb9: {  	s0 =	rddreg [dreg:$0x0];
	s2 =	stileid.u32  }
0xba: {  	s1 =	rddreg [dreg:$0x1];
	p0 =	sne.s32 s2, $0x0  }
0xbb: {  	s3 =	rddreg [dreg:$0x2];
	[bflag:$0x3] =	sbarrier.arrive $0xFFFF;
	s2 =	simm.s32 @!p0 $0x1C03  }
0xbc: {  	[timem:s3], [sflag:s2] =	dma.local @!p0 [hbm:s0], s1  }
0xbd: {  	s0 =	simm.s32 @!p0 $0x3  }
0xbe: {  	_ =	swait.ge @!p0 [sflag:s0], s1  }
0xbf: {  	s1 =	ssub.s32 @!p0 $0x0, s1;
	[sflag:s0] =	ssyncset.done @!p0 $0x0  }
0xc0: {  	[sflag:s0] =	ssyncadd.s32 @!p0 s1  }
0xc1: {  	[bflag:$0x3] =	sbarrier.arrive $0xFFFF  }
0xc2: {  	_ =	shalt  }

// kernel: kernel.9.cloned.1.call-start
scs
__scs_entry_jumppad:
0x0: {  	(pc) =	sbr.rel $0x88, $3  }
0x1: {  	(tag) =	ssettag $0x0;
	lr =	simm.s32 $0x1  }
0x2: {  	[smem:$0x3F9B] =	sst lr;
	_ =	strace $0xD0000000  }
0x3: {  	_ = 	snop  }
0x4: {  	_ = 	snop  }
0x5: {  	_ = 	snop  }
0x6: {  	_ = 	snop  }
0x7: {  	_ = 	snop  }
__scs_overlays_trampoline_lowered:
0x8: {  	[smem:$0x3FAA] =	sst s0  }
0x9: {  	[smem:$0x3FAB] =	sst s1  }
0xa: {  	[smem:$0x3FAC] =	sst s2  }
0xb: {  	[smem:$0x3FAD] =	sst s3  }
0xc: {  	[smem:$0x3FAE] =	sst s4  }
0xd: {  	[smem:$0x3FAF] =	sst s5  }
0xe: {  	[smem:$0x3FB0] =	sst s6  }
0xf: {  	[smem:$0x3FB1] =	sst s7  }
0x10: {  	[smem:$0x3FB2] =	sst s8  }
0x11: {  	[smem:$0x3FB3] =	sst s9;
	s0 =	simm.s32 @!p0 $0x0  }
0x12: {  	s1 =	sld [smem:$0x3F99];
	s0 =	simm.s32 @p0 $0x1  }
0x13: {  	[smem:$0x3FB4] =	sst s0;
	s0 =	simm.s32 @!p1 $0x0  }
0x14: {  	s2 =	sld [smem:$0x3F98];
	s0 =	simm.s32 @p1 $0x1  }
0x15: {  	[smem:$0x3FB5] =	sst s0;
	s0 =	simm.s32 @!p2 $0x0  }
0x16: {  	s3 =	sld [smem:$0x3FDB];
	s0 =	simm.s32 @p2 $0x1  }
0x17: {  	s4 =	simm.s32 $0x1BF5;
	[smem:$0x3FB7] =	sst s0  }
0x18: {  	s0 =	sld [smem:$0x3F9A];
	_ =	swait.ge [sflag:s4], $0x0  }
0x19: {  	s7 =	sld [smem:$0x3F9B]  }
0x1a: {  	s8 =	sadd.s32 $0xFFFFE003, lr  }
0x1b: {  	s9 =	sadd.s32 $0xFFFFFEF7, lr;
	s5 =	simm.s32 $0xFFFFFFFF;
	p2 =	slt.u32 s8, $0xFFFFF086  }
0x1c: {  	p1 =	slt.u32 s9, $0xF7A;
	s5 =	simm.s32 @!p2 $0x0  }
0x1d: {  	s5 =	simm.s32 @p1 $0x1;
	p0 =	seq.s32 s7, s2  }
0x1e: {  	s7 =	smul.u32 @!p0 $0xF7A, s2;
	p2 =	seq.s32 @!p0 s5, $0x0  }
0x1f: {  	s9 =	smul.u32 $0xF7A, s1;
	s8 =	simm.s32 @!p0 $0x1BF5;
	p2 =	por !p2, p0  }
0x20: {  	[sflag:s8] =	ssyncset.s32 @!p0 $0xFFFFF086;
	s6 =	sadd.s32 @!p0 s3, s7;
	s7 =	simm.s32 @!p0 $0x108  }
0x21: {  	s3 =	sadd.s32 s3, s9;
	s6 =	sadd.s32 @!p0 $0x88, s6;
	s7 =	simm.s32 @p2 $0x1082  }
0x22: {  	[simem:s7], [sflag:s8] =	dma.local @!p0 [hbm:s6], $0xF7A  }
0x23: {  	s9 =	sor.u32 $0xD0000000, s2;
	s6 =	simm.s32 $0x108;
	_ =	swait.ge @!p0 [sflag:s8], $0x0  }
0x24: {  	s3 =	sadd.s32 $0x88, s3;
	s6 =	simm.s32 @!p1 $0x1082;
	[sflag:s4] =	ssyncset.s32 $0xFFFFF086  }
0x25: {  	[simem:s6], [sflag:s4] =	dma.local [hbm:s3], $0xF7A  }
0x26: {  	[smem:$0x3F9B] =	sst s1;
	(tag) =	ssettag s2;
	_ =	strace s9  }
0x27: {  	s1 =	sld [smem:$0x3FAB]  }
0x28: {  	s2 =	sld [smem:$0x3FAC]  }
0x29: {  	s4 =	sld [smem:$0x3FAE]  }
0x2a: {  	p0 =	seq.s32 s5, $0x0;
	s5 =	sld [smem:$0x3FAF]  }
0x2b: {  	s6 =	sld [smem:$0x3FB0]  }
0x2c: {  	s7 =	sld [smem:$0x3FB1]  }
0x2d: {  	s3 =	simm.s32 $0x108;
	s8 =	sld [smem:$0x3FB2]  }
0x2e: {  	s3 =	simm.s32 @!p0 $0x1082;
	s9 =	sld [smem:$0x3FB3]  }
0x2f: {  	lr =	sadd.s32 s0, s3;
	s0 =	sld [smem:$0x3FAA]  }
0x30: {  	s3 =	sld [smem:$0x3FAD]  }
0x31: {  	[smem:$0x3FB6] =	sst s10  }
0x32: {  	s10 =	sld [smem:$0x3FB4];
	_ =	sdelay $0x3  }
0x33: {  	p0 =	seq.s32 s10, $0x1;
	s10 =	sld [smem:$0x3FB6];
	_ =	sdelay $0x3  }
0x34: {  	[smem:$0x3FB6] =	sst s10  }
0x35: {  	s10 =	sld [smem:$0x3FB5];
	_ =	sdelay $0x3  }
0x36: {  	p1 =	seq.s32 s10, $0x1;
	s10 =	sld [smem:$0x3FB6];
	_ =	sdelay $0x3  }
0x37: {  	[smem:$0x3FB6] =	sst s10  }
0x38: {  	s10 =	sld [smem:$0x3FB7]  }
0x39: {  	_ = 	snop;
	(pc) =	sbr.ind lr, $3  }
0x3a: {  	_ = 	snop  }
0x3b: {  	_ = 	snop  }
0x3c: {  	p2 =	seq.s32 s10, $0x1;
	s10 =	sld [smem:$0x3FB6]  }
0x3d: {  	_ =	shalt  }
0x3e: {  	_ =	shalt  }
0x3f: {  	_ =	shalt  }
0x40: {  	_ =	shalt  }
0x41: {  	_ =	shalt  }
0x42: {  	_ =	shalt  }
0x43: {  	_ =	shalt  }
0x44: {  	_ =	shalt  }
0x45: {  	_ =	shalt  }
0x46: {  	_ =	shalt  }
0x47: {  	_ =	shalt  }
0x48: {  	_ =	shalt  }
0x49: {  	_ =	shalt  }
0x4a: {  	_ =	shalt  }
0x4b: {  	_ =	shalt  }
0x4c: {  	_ =	shalt  }
0x4d: {  	_ =	shalt  }
0x4e: {  	_ =	shalt  }
0x4f: {  	_ =	shalt  }
0x50: {  	_ =	shalt  }
0x51: {  	_ =	shalt  }
0x52: {  	_ =	shalt  }
0x53: {  	_ =	shalt  }
0x54: {  	_ =	shalt  }
0x55: {  	_ =	shalt  }
0x56: {  	_ =	shalt  }
0x57: {  	_ =	shalt  }
0x58: {  	_ =	shalt  }
0x59: {  	_ =	shalt  }
0x5a: {  	_ =	shalt  }
0x5b: {  	_ =	shalt  }
0x5c: {  	_ =	shalt  }
0x5d: {  	_ =	shalt  }
0x5e: {  	_ =	shalt  }
0x5f: {  	_ =	shalt  }
0x60: {  	_ =	shalt  }
0x61: {  	_ =	shalt  }
0x62: {  	_ =	shalt  }
0x63: {  	_ =	shalt  }
0x64: {  	_ =	shalt  }
0x65: {  	_ =	shalt  }
0x66: {  	_ =	shalt  }
0x67: {  	_ =	shalt  }
0x68: {  	_ =	shalt  }
0x69: {  	_ =	shalt  }
0x6a: {  	_ =	shalt  }
0x6b: {  	_ =	shalt  }
0x6c: {  	_ =	shalt  }
0x6d: {  	_ =	shalt  }
0x6e: {  	_ =	shalt  }
0x6f: {  	_ =	shalt  }
0x70: {  	_ =	shalt  }
0x71: {  	_ =	shalt  }
0x72: {  	_ =	shalt  }
0x73: {  	_ =	shalt  }
0x74: {  	_ =	shalt  }
0x75: {  	_ =	shalt  }
0x76: {  	_ =	shalt  }
0x77: {  	_ =	shalt  }
0x78: {  	_ =	shalt  }
0x79: {  	_ =	shalt  }
0x7a: {  	_ =	shalt  }
0x7b: {  	_ =	shalt  }
0x7c: {  	_ =	shalt  }
0x7d: {  	_ =	shalt  }
0x7e: {  	_ =	shalt  }
0x7f: {  	_ =	shalt  }
0x80: {  	_ =	shalt  }
0x81: {  	_ =	shalt  }
0x82: {  	_ =	shalt  }
0x83: {  	_ =	shalt  }
0x84: {  	_ =	shalt  }
0x85: {  	_ =	shalt  }
0x86: {  	_ =	shalt  }
0x87: {  	_ =	shalt  }
.Lfunc_end0:
.L_simem_size_0:
called_computation.1_lowered:
.L_overlay_start_0:
0x88: {  	s2 =	sld [smem:$0x3FD9]  }
0x89: {  	s3 =	sld [smem:$0x3FFE];
	_ =	sdelay $0x1  }
0x8a: {  	s1 =	srdreg.scid  }
0x8b: {  	s0 =	sand.u32 $0x1, s1  }
0x8c: {  	s16 =	sshll.u32 s0, $0xA;
	s2 =	sadd.s32 s3, s2  }
0x8d: {  	s2 =	sadd.s32 s2, s16  }
0x8e: {  	[smem:$0x3FC2] =	sst s2  }
0x8f: {  	_ = 	snop  }
0x90: {  	(tm) =	ssettm $0x1  }
0x91: {  	s17 =	sld [smem:$0x3FFB];
	_ =	sdelay $0x3  }
0x92: {  	_ =	strace s17  }
0x93: {  	s2 =	sld [smem:$0x3FFC];
	_ =	sdelay $0x3  }
0x94: {  	_ =	strace s2  }
0x95: {  	s2 =	sld [smem:$0x3FFD];
	_ =	sdelay $0x3  }
0x96: {  	_ =	strace s2  }
0x97: {  	_ =	strace $0x8FFFFFFF  }
0x98: {  	s18 =	sld [smem:$0x3FDB];
	_ =	sdelay $0x1  }
0x99: {  	s19 =	simm.s32 $_scs_section_size  }
0x9a: {  	s4 =	simm.s32 $_size__tile_overlayer_lowered;
	s5 =	simm.s32 $_tile_overlayer_lowered  }
0x9b: {  	s22 =	simm.s32 $0x1BFF;
	s21 =	sshll.u32 s5, $0x1;
	s2 =	sadd.s32 s19, s18  }
0x9c: {  	s6 =	simm.s32 $0x0;
	s20 =	sshll.u32 s4, $0x1;
	s4 =	sadd.s32 s21, s2  }
0x9d: {  	[timem:s6], [sflag:s22] =	dma.local [hbm:s4], s20  }
0x9e: {  	_ =	swait.ge [sflag:s22], s20  }
0x9f: {  	s3 =	ssub.s32 $0x0, s20;
	[sflag:s22] =	ssyncset.done $0x0  }
0xa0: {  	[sflag:s22] =	ssyncadd.s32 s3;
	_ =	sdelay $0x1  }
0xa1: {  	s23 =	simm.s32 $0x1B8B  }
0xa2: {  	_ =	swait.ge [sflag:s23], $0x1  }
0xa3: {  	[sflag:s23] =	ssyncset.done $0x0  }
0xa4: {  	s25 =	simm.s32 $0x1B8E;
	s24 =	sld [smem:$0x3FFE];
	[sflag:s23] =	ssyncadd.s32 $0xFFFFFFFF  }
0xa5: {  	s26 =	simm.s32 $execute0_lowered;
	[smem:$0x3FD2] =	sst s25  }
0xa6: {  	s4 =	sshll.u32 s26, $0x1;
	_ =	strace $0x80000049;
	[dreg:$0x1] =	wrdreg $0xFFFFFFFF  }
0xa7: {  	s28 =	simm.s32 $_size_execute0_lowered;
	s2 =	sadd.s32 s2, s4;
	[dreg:$0x0] =	wrdreg $0x0  }
0xa8: {  	s4 =	sshll.u32 s28, $0x1;
	[dreg:$0x2] =	wrdreg s2  }
0xa9: {  	[dreg:$0x3] =	wrdreg s4  }
0xaa: {  	[dreg:$0x4] =	wrdreg $0xC0  }
0xab: {  	_ =	task [dreg:s6], $0x5FFFF  }
0xac: {  	[dreg:$0x1] =	wrdreg $0xFFFFFFFF  }
0xad: {  	[dreg:$0x0] =	wrdreg $0x60  }
0xae: {  	[dreg:$0x2] =	wrdreg s24  }
0xaf: {  	[dreg:$0x3] =	wrdreg $0xAA800  }
0xb0: {  	[dreg:$0x4] =	wrdreg $0x1EA800  }
0xb1: {  	[dreg:$0x5] =	wrdreg $0x9  }
0xb2: {  	_ =	task.clear_ibuf [dreg:s6], $0x6FFFF;
	_ =	strace $0x90000049  }
0xb3: {  	s29 =	simm.s32 $0x9;
	_ =	strace $0x8000004B  }
0xb4: {  	_ =	swait.ge [sflag:s29], $0x1  }
0xb5: {  	[sflag:s29] =	ssyncadd.s32 $0xFFFFFFFF  }
0xb6: {  	_ =	strace $0x9000004B  }
0xb7: {  	_ =	sfence  }
0xb8: {  	s30 =	sld [smem:$0x0];
	_ =	sdelay $0x2  }
0xb9: {  	s31 =	sshll.u32 s1, $0xD;
	s1 =	sshrl.u32 s1, $0x2  }
0xba: {  	s3 =	sand.u32 $0x4000, s31;
	s1 =	sadd.s32 s1, s30  }
0xbb: {  	s0 =	sor.u32 s3, s0;
	s1 =	sshll.u32 s1, $0x11  }
0xbc: {  	s0 =	sor.u32 s1, s0  }
0xbd: {  	s0 =	sadd.s32 $0x8F2B, s0  }
0xbe: {  	[sflag:s0] =	ssyncadd.remote.s32 $0x1  }
0xbf: {  	_ =	sfence.sel $0xFFFF  }
0xc0: {  	[dreg:$0x0] =	wrdreg $0xFFFFFFFF;
	(pc) =	sbr.abs _section_cstart, $3  }
0xc1: {  	[dreg:$0x1] =	wrdreg $0xFFFFFFFF  }
0xc2: {  	_ =	task.clear_ibuf [dreg:s6], $0x2FFFF;
	_ =	strace $0x9FFFFFFF  }
0xc3: {  	(tm) =	ssettm $0x7FFFFFFF  }
tec
execute0_lowered:
.L_overlay_start_1:
0x0: {  	(tag) =	ssettag $0x1  }
0x1: {  	s0 =	rddreg [dreg:$0x0]  }
0x2: {  	s1 =	rddreg [dreg:$0x1]  }
0x3: {  	s2 =	rddreg [dreg:$0x2]  }
0x4: {  	s4 =	simm.s32 $0x0;
	s22 =	stileid.u32;
	s6 =	srdreg.scid  }
0x5: {  	s28 =	simm.s32 $0x7;
	s29 =	simm.s32 $0x4;
	s30 =	simm.s32 $0x8  }
0x6: {  	[smem:$0x7FF] =	sst s4;
	s3 =	smul.u32 $0x2800, s22;
	s5 =	sadd.s32 $0xC000, s0  }
0x7: {  	s8 =	smul.u32 $0x280, s22;
	s10 =	sand.u32 $0x1, s6;
	s6 =	sadd.s32 $0x2200, s0  }
0x8: {  	s7 =	sadd.s32 $0x16400, s0;
	s11 =	sadd.s32 $0x3D600, s0;
	s15 =	sshll.u32 s22, $0x1  }
0x9: {  	p0 =	seq.s32 s22, $0x0;
	s20 =	smul.u32 $0x50000, s22;
	s23 =	sshll.u32 s22, $0x6  }
0xa: {  	_ =	strace $0x8000004A;
	s9 =	smul.u32 $0x28000, s10;
	[dreg:$0x9] =	wrdreg s11  }
0xb: {  	s26 =	ssub.s32 $0x2, s10;
	s31 =	sshll.u32 s10, $0x4;
	s15 =	sor.u32 s10, s15  }
0xc: {  	s25 =	sadd.s32 s3, s0;
	s12 =	sshrl.u32 s8, $0x3;
	s13 =	sshrl.u32 s26, $0x1  }
0xd: {  	s16 =	smin.u32 s15, $0x2;
	s19 =	smul.u32 $0x2700, s15;
	s8 =	sadd.s32 s8, s2  }
0xe: {  	s14 =	sadd.s32 s12, s0;
	s17 =	sadd.s32 s9, s0;
	s0 =	sadd.s32 s31, s0  }
0xf: {  	s18 =	ssub.s32 s26, s13;
	s9 =	simm.s32 $0x50;
	s16 =	sshll.u32 s16, $0x8  }
0x10: {  	s12 =	sshrl.u32 s20, $0x2;
	s20 =	smul.u32 $0x2700, s10;
	s25 =	sadd.s32 $0x3DC00, s25  }
0x11: {  	[dreg:$0xc] =	wrdreg s8;
	s9 =	simm.s32 @!p0 $0x4E;
	s21 =	sadd.s32 s19, s16  }
0x12: {  	s19 =	smul.u32 $0x4E00, s22;
	s24 =	sadd.s32 s12, s1;
	[dreg:$0xb] =	wrdreg s25  }
0x13: {  	s12 =	sor.u32 $0x1C09, s23;
	s31 =	sadd.s32 $0x15E00, s14;
	s10 =	sadd.s32 $0x65C00, s17  }
0x14: {  	s17 =	smax.u32 s18, $0x1;
	[dreg:$0xa] =	wrdreg s24;
	s26 =	sshrl.u32 s21, $0x3  }
0x15: {  	[dreg:$0xd] =	wrdreg s31;
	s21 =	sadd.s32 $0xB5C00, s0;
	s13 =	sshll.u32 s9, $0x4  }
0x16: {  	s24 =	smul.u32 $0xA0, s22;
	s31 =	simm.s32 $0x8280;
	s22 =	sadd.s32 s3, s10  }
0x17: {  	s19 =	sadd.s32 s20, s19;
	s15 =	sadd.s32 s5, s26;
	[dreg:$0x8] =	wrdreg s13  }
0x18: {  	s20 =	simm.s32 $0x8300;
	[dreg:$0x7] =	wrdreg s31;
	s19 =	sadd.s32 s16, s19  }
0x19: {  	s16 =	sadd.s32 s6, s26;
	s26 =	simm.s32 $0x8200;
	s11 =	sor.u32 $0x80, s19  }
0x1a: {  	s24 =	sadd.s32 s24, s21;
	s21 =	simm.s32 $0x0;
	s14 =	sshrl.u32 s11, $0x3  }
0x1b: {  	s0 =	sadd.s32 $0x100, s19;
	[dreg:$0x6] =	wrdreg s26;
	s23 =	sadd.s32 s14, s6  }
0x1c: {  	s19 =	simm.s32 $0x9;
	s25 =	sadd.s32 s14, s5;
	[dreg:$0x5] =	wrdreg s23  }
0x1d: {  	s26 =	simm.s32 $0x3;
	[dreg:$0x4] =	wrdreg s25;
	s23 =	simm.s32 $0x80  }
.LBB2_1:
0x1e: {  	s3 =	rddreg [dreg:$0xa]  }
0x1f: {  	s8 =	rddreg [dreg:$0xb];
	s25 =	sshrl.u32 s3, $0x3  }
0x20: {  	[spmem:s25], [sflag:s12] =	dma.local [hbm:s8], $0x2800  }
0x21: {  	_ =	swait.ge [sflag:s19], $0x2800  }
0x22: {  	[sflag:s19] =	ssyncset.done $0x0;
	s10 =	rddreg [dreg:$0xc]  }
0x23: {  	s11 =	rddreg [dreg:$0xd];
	[sflag:s19] =	ssyncadd.s32 $0xFFFFD800;
	s31 =	sshrl.u32 s10, $0x3  }
0x24: {  	[spmem:s31], [sflag:s12] =	dma.local [hbm:s11], $0x50  }
0x25: {  	_ =	swait.ge [sflag:s19], $0x50  }
0x26: {  	[sflag:s19] =	ssyncset.done $0x0  }
0x27: {  	s13 =	rddreg [dreg:$0x9];
	[sflag:s19] =	ssyncadd.s32 $0xFFFFFFB0  }
0x28: {  	[tilespmem:s20], [sflag:$0x9] =	stream.linear.gather [hbm4b:s13+s4], $0x2780, $0x38;
	[tilespmem:$0x1ED00] =	vst v63  }
0x29: {  	_ =	swait.ge [sflag:s19], $0x2780  }
0x2a: {  	[sflag:s19] =	ssyncset.done $0x0  }
0x2b: {  	[sflag:s19] =	ssyncadd.s32 $0xFFFFD880  }
0x2c: {  	[bflag:$0x0] =	sbarrier.arrive $0xFFFF  }
0x2d: {  	[tilespmem:s4], [sflag:$0x9] =	stream.linear.gather [hbm4b:s15+s4], $0x80, $0x38;
	[tilespmem:$0x1ED00] =	vst v63  }
0x2e: {  	_ =	swait.ge [sflag:s19], $0x80  }
0x2f: {  	[sflag:s19] =	ssyncset.done $0x0  }
0x30: {  	s14 =	simm.s32 $0x100;
	[sflag:s19] =	ssyncadd.s32 $0xFFFFFF80  }
0x31: {  	[tilespmem:s14], [sflag:$0x9] =	stream.linear.gather [hbm4b:s16+s4], $0x80, $0x38;
	[tilespmem:$0x1ED00] =	vst v63  }
0x32: {  	_ =	swait.ge [sflag:s19], $0x80  }
0x33: {  	[sflag:s19] =	ssyncset.done $0x0  }
0x34: {  	s18 =	simm.s32 $0x200;
	[sflag:s19] =	ssyncadd.s32 $0xFFFFFF80  }
0x35: {  	[tilespmem:s18], [sflag:$0x1] =	stream.indirect.gather [hbm4b:s7+s23], $0x80, s4, s23, $0xb8;
	[tilespmem:$0x1ED00] =	vst v63  }
0x36: {  	s3 =	simm.s32 $0x1;
	s8 =	simm.s32 $0x0;
	s18 =	smov.u32 s0  }
.LBB2_2:
0x37: {  	p1 =	seq.s32 s8, $0x0  }
0x38: {  	s10 =	simm.s32 @!p1 $0x4  }
0x39: {  	_ =	swait.ge @!p1 [sflag:s10], $0x4000  }
0x3a: {  	[sflag:s10] =	ssyncset.done @!p1 $0x0  }
0x3b: {  	[sflag:s10] =	ssyncadd.s32 @!p1 $0xFFFFC000;
	s10 =	simm.s32 @!p1 $0x8  }
0x3c: {  	_ =	swait.ge @!p1 [sflag:s10], $0x80  }
0x3d: {  	p0 =	sge.u32 s3, s9;
	[sflag:s10] =	ssyncset.done @!p1 $0x0  }
0x3e: {  	[sflag:s10] =	ssyncadd.s32 @!p1 $0xFFFFFF80;
	s10 =	simm.s32 @p0 $0x1  }
0x3f: {  	_ =	swait.ge @p0 [sflag:s10], $0x4000  }
0x40: {  	s11 =	simm.s32 @p0 $0x100;
	s13 =	simm.s32 @p0 $0x200;
	[sflag:s10] =	ssyncset.done @p0 $0x0  }
0x41: {  	s14 =	rddreg [dreg:$0x4];
	[sflag:s10] =	ssyncadd.s32 @p0 $0xFFFFC000;
	s10 =	simm.s32 @p0 $0x80  }
0x42: {  	[spmem:s1] =	stream.indirect.scatter.add.f32 @p0 [tilespmem:s13], [sflag:$0x3], $0x80, s11, s10, $0xb8;
	[tilespmem:$0x1ED00] =	vst v63  }
0x43: {  	s10 =	rddreg [dreg:$0x5]  }
0x44: {  	s11 =	sadd.s32 @!p0 s8, s14;
	s13 =	simm.s32 @!p0 $0x0;
	s14 =	simm.s32 @!p0 $0x80  }
0x45: {  	[tilespmem:s14], [sflag:$0x6] =	stream.linear.gather @!p0 [hbm4b:s11+s13], $0x80, $0x38;
	[tilespmem:$0x1ED00] =	vst v63  }
0x46: {  	s10 =	sadd.s32 @!p0 s8, s10;
	s11 =	simm.s32 @!p0 $0x180  }
0x47: {  	[tilespmem:s11], [sflag:$0x6] =	stream.linear.gather @!p0 [hbm4b:s10+s13], $0x80, $0x38;
	[tilespmem:$0x1ED00] =	vst v63  }
0x48: {  	s10 =	simm.s32 @!p0 $0x1  }
0x49: {  	_ =	swait.ge @!p0 [sflag:s10], $0x4000  }
0x4a: {  	[sflag:s10] =	ssyncset.done @!p0 $0x0  }
0x4b: {  	s11 =	simm.s32 @!p0 $0x200;
	[sflag:s10] =	ssyncadd.s32 @!p0 $0xFFFFC000;
	s10 =	simm.s32 @!p0 $0x100  }
0x4c: {  	[spmem:s1] =	stream.indirect.scatter.add.f32 @!p0 [tilespmem:s11], [sflag:$0x3], $0x80, s10, s14, $0xb8;
	[tilespmem:$0x1ED00] =	vst v63  }
0x4d: {  	s10 =	simm.s32 @!p0 $0x6  }
0x4e: {  	_ =	swait.ge @!p0 [sflag:s10], $0x80  }
0x4f: {  	[sflag:s10] =	ssyncset.done @!p0 $0x0  }
0x50: {  	[sflag:s10] =	ssyncadd.s32 @!p0 $0xFFFFFF80  }
0x51: {  	_ =	swait.ge @!p0 [sflag:s10], $0x80  }
0x52: {  	[sflag:s10] =	ssyncset.done @!p0 $0x0  }
0x53: {  	[sflag:s10] =	ssyncadd.s32 @!p0 $0xFFFFFF80;
	s10 =	simm.s32 @!p0 $0x4200  }
0x54: {  	[tilespmem:s10], [sflag:$0x2] =	stream.indirect.gather @!p0 [hbm4b:s7+s14], $0x80, s14, s14, $0xb8;
	[tilespmem:$0x1ED00] =	vst v63  }
0x55: {  	v0 =	vld [tilespmem:$0x100];
	_ =	sdelay $0x5  }
0x56: {  	v1 =	vld [tilespmem:$0x110];
	_ =	sdelay $0x1  }
0x57: {  	v0 =	vld.idx.msk [tilespmem:v0+s20+$0x0], $0xffff;
	_ =	sdelay $0x3  }
0x58: {  	v2 =	vld [tilespmem:$0x120]  }
0x59: {  	[tilespmem:$0x8200] =	vst v0  }
0x5a: {  	v0 =	vld.idx.msk [tilespmem:v1+s20+$0x0], $0xffff;
	_ =	sdelay $0x3  }
0x5b: {  	v51 =	vld [tilespmem:$0x130]  }
0x5c: {  	[tilespmem:$0x8210] =	vst v0  }
0x5d: {  	v0 =	vld.idx.msk [tilespmem:v2+s20+$0x0], $0xffff;
	_ =	sdelay $0x3  }
0x5e: {  	v52 =	vld [tilespmem:$0x140]  }
0x5f: {  	[tilespmem:$0x8220] =	vst v0  }
0x60: {  	v0 =	vld.idx.msk [tilespmem:v51+s20+$0x0], $0xffff;
	_ =	sdelay $0x3  }
0x61: {  	v53 =	vld [tilespmem:$0x150]  }
0x62: {  	[tilespmem:$0x8230] =	vst v0  }
0x63: {  	v0 =	vld.idx.msk [tilespmem:v52+s20+$0x0], $0xffff;
	_ =	sdelay $0x3  }
0x64: {  	v54 =	vld [tilespmem:$0x160]  }
0x65: {  	[tilespmem:$0x8240] =	vst v0  }
0x66: {  	v0 =	vld.idx.msk [tilespmem:v53+s20+$0x0], $0xffff;
	_ =	sdelay $0x3  }
0x67: {  	v55 =	vld [tilespmem:$0x170]  }
0x68: {  	[tilespmem:$0x8250] =	vst v0  }
0x69: {  	v0 =	vld.idx.msk [tilespmem:v54+s20+$0x0], $0xffff;
	_ =	sdelay $0x4  }
0x6a: {  	[tilespmem:$0x8260] =	vst v0  }
0x6b: {  	v0 =	vld.idx.msk [tilespmem:v55+s20+$0x0], $0xffff;
	_ =	sdelay $0x4  }
0x6c: {  	s14 =	rddreg [dreg:$0x6];
	[tilespmem:$0x8270] =	vst v0  }
0x6d: {  	[spmem:s2] =	stream.indirect.scatter.add.f32 [tilespmem:s14], [sflag:$0x7], $0x1, s4, s23, $0xb8;
	[tilespmem:$0x1ED00] =	vst v63  }
0x6e: {  	_ =	swait.ge [sflag:s26], $0x4000  }
0x6f: {  	[sflag:s26] =	ssyncset.done $0x0  }
0x70: {  	[sflag:s26] =	ssyncadd.s32 $0xFFFFC000  }
0x71: {  	s11 =	sadd.s32 $0x1, s3;
	_ =	swait.ge [sflag:s28], $0x80  }
0x72: {  	p0 =	sge.u32 s11, s9;
	[sflag:s28] =	ssyncset.done $0x0  }
0x73: {  	s10 =	simm.s32 @p0 $0x2;
	[sflag:s28] =	ssyncadd.s32 $0xFFFFFF80  }
0x74: {  	_ =	swait.ge @p0 [sflag:s10], $0x4000  }
0x75: {  	s11 =	simm.s32 @p0 $0x180;
	[sflag:s10] =	ssyncset.done @p0 $0x0  }
0x76: {  	s13 =	simm.s32 @p0 $0x4200;
	[sflag:s10] =	ssyncadd.s32 @p0 $0xFFFFC000;
	s10 =	simm.s32 @p0 $0x80  }
0x77: {  	[spmem:s1] =	stream.indirect.scatter.add.f32 @p0 [tilespmem:s13], [sflag:$0x4], $0x80, s11, s10, $0xb8;
	[tilespmem:$0x1ED00] =	vst v63  }
0x78: {  	s10 =	sshrl.u32 @!p0 s18, $0x3  }
0x79: {  	s13 =	simm.s32 @!p0 $0x0;
	s11 =	sadd.s32 @!p0 s5, s10  }
0x7a: {  	[tilespmem:s13], [sflag:$0x5] =	stream.linear.gather @!p0 [hbm4b:s11+s13], $0x80, $0x38;
	[tilespmem:$0x1ED00] =	vst v63  }
0x7b: {  	s10 =	sadd.s32 @!p0 s6, s10;
	s11 =	simm.s32 @!p0 $0x100  }
0x7c: {  	[tilespmem:s11], [sflag:$0x5] =	stream.linear.gather @!p0 [hbm4b:s10+s13], $0x80, $0x38;
	[tilespmem:$0x1ED00] =	vst v63  }
0x7d: {  	s10 =	simm.s32 @!p0 $0x2  }
0x7e: {  	_ =	swait.ge @!p0 [sflag:s10], $0x4000  }
0x7f: {  	s14 =	simm.s32 @!p0 $0x4200;
	[sflag:s10] =	ssyncset.done @!p0 $0x0  }
0x80: {  	s11 =	simm.s32 @!p0 $0x180;
	[sflag:s10] =	ssyncadd.s32 @!p0 $0xFFFFC000;
	s10 =	simm.s32 @!p0 $0x80  }
0x81: {  	[spmem:s1] =	stream.indirect.scatter.add.f32 @!p0 [tilespmem:s14], [sflag:$0x4], $0x80, s11, s10, $0xb8;
	[tilespmem:$0x1ED00] =	vst v63  }
0x82: {  	s11 =	simm.s32 @!p0 $0x5  }
0x83: {  	_ =	swait.ge @!p0 [sflag:s11], $0x80  }
0x84: {  	[sflag:s11] =	ssyncset.done @!p0 $0x0  }
0x85: {  	[sflag:s11] =	ssyncadd.s32 @!p0 $0xFFFFFF80  }
0x86: {  	_ =	swait.ge @!p0 [sflag:s11], $0x80  }
0x87: {  	[sflag:s11] =	ssyncset.done @!p0 $0x0  }
0x88: {  	[sflag:s11] =	ssyncadd.s32 @!p0 $0xFFFFFF80;
	s11 =	simm.s32 @!p0 $0x200  }
0x89: {  	[tilespmem:s11], [sflag:$0x1] =	stream.indirect.gather @!p0 [hbm4b:s7+s10], $0x80, s13, s10, $0xb8;
	[tilespmem:$0x1ED00] =	vst v63  }
0x8a: {  	v56 =	vld [tilespmem:$0x180];
	_ =	sdelay $0x5  }
0x8b: {  	v57 =	vld [tilespmem:$0x190];
	_ =	sdelay $0x1  }
0x8c: {  	v0 =	vld.idx.msk [tilespmem:v56+s20+$0x0], $0xffff;
	_ =	sdelay $0x3  }
0x8d: {  	v58 =	vld [tilespmem:$0x1A0]  }
0x8e: {  	[tilespmem:$0x8280] =	vst v0  }
0x8f: {  	v0 =	vld.idx.msk [tilespmem:v57+s20+$0x0], $0xffff;
	_ =	sdelay $0x3  }
0x90: {  	v59 =	vld [tilespmem:$0x1B0]  }
0x91: {  	[tilespmem:$0x8290] =	vst v0  }
0x92: {  	v0 =	vld.idx.msk [tilespmem:v58+s20+$0x0], $0xffff;
	_ =	sdelay $0x3  }
0x93: {  	v60 =	vld [tilespmem:$0x1C0]  }
0x94: {  	[tilespmem:$0x82A0] =	vst v0  }
0x95: {  	v0 =	vld.idx.msk [tilespmem:v59+s20+$0x0], $0xffff;
	_ =	sdelay $0x3  }
0x96: {  	v61 =	vld [tilespmem:$0x1D0]  }
0x97: {  	[tilespmem:$0x82B0] =	vst v0  }
0x98: {  	v0 =	vld.idx.msk [tilespmem:v60+s20+$0x0], $0xffff;
	_ =	sdelay $0x3  }
0x99: {  	v62 =	vld [tilespmem:$0x1E0]  }
0x9a: {  	[tilespmem:$0x82C0] =	vst v0  }
0x9b: {  	v0 =	vld.idx.msk [tilespmem:v61+s20+$0x0], $0xffff;
	_ =	sdelay $0x3  }
0x9c: {  	v63 =	vld [tilespmem:$0x1F0]  }
0x9d: {  	[tilespmem:$0x82D0] =	vst v0  }
0x9e: {  	v0 =	vld.idx.msk [tilespmem:v62+s20+$0x0], $0xffff;
	_ =	sdelay $0x4  }
0x9f: {  	[tilespmem:$0x82E0] =	vst v0  }
0xa0: {  	s8 =	sadd.s32 $0x20, s8;
	s14 =	rddreg [dreg:$0x8];
	v0 =	vld.idx.msk [tilespmem:v63+s20+$0x0], $0xffff  }
0xa1: {  	p0 =	sne.s32 s14, s8  }
.Ltmp0:
0xa2: {  	_ = 	snop;
	(pc) =	sbr.rel @p0 .LBB2_2-.Ltmp0, $3  }
0xa3: {  	_ =	sdelay $0x1  }
0xa4: {  	s3 =	sadd.s32 $0x2, s3;
	s18 =	sadd.s32 $0x100, s18;
	s13 =	rddreg [dreg:$0x7];
	[tilespmem:$0x82F0] =	vst v0  }
0xa5: {  	[spmem:s2] =	stream.indirect.scatter.add.f32 [tilespmem:s13], [sflag:$0x8], $0x1, s23, s23, $0xb8;
	[tilespmem:$0x1ED00] =	vst v63  }
0xa6: {  	_ =	swait.ge [sflag:s29], $0x4000  }
0xa7: {  	[sflag:s29] =	ssyncset.done $0x0  }
0xa8: {  	[sflag:s29] =	ssyncadd.s32 $0xFFFFC000  }
0xa9: {  	_ =	swait.ge [sflag:s30], $0x80  }
0xaa: {  	[sflag:s30] =	ssyncset.done $0x0  }
0xab: {  	[sflag:s30] =	ssyncadd.s32 $0xFFFFFF80  }
0xac: {  	[bflag:$0x0] =	sbarrier.arrive $0xFFFF  }
0xad: {  	[hbm:s22], [sflag:s12] =	dma.local [spmem:s25], $0x2800  }
0xae: {  	s3 =	simm.s32 $0x1;
	s21 =	sadd.s32 $0x1, s21;
	_ =	swait.ge [sflag:s19], $0x2800  }
0xaf: {  	s8 =	simm.s32 $0x20;
	p0 =	sne.s32 s21, s17;
	[sflag:s19] =	ssyncset.done $0x0  }
.Ltmp1:
0xb0: {  	s10 =	simm.s32 $0x10;
	[sflag:s19] =	ssyncadd.s32 $0xFFFFD800;
	(pc) =	sbr.rel @p0 .LBB2_1-.Ltmp1, $4  }
0xb1: {  	[hbm:s24@s8], [sflag:s12] =	dma.strided [spmem:s31@s10], $0x50, s3, $0x10   }
0xb2: {  	_ =	swait.ge [sflag:s19], $0x50  }
0xb3: {  	[sflag:s19] =	ssyncset.done $0x0  }
0xb4: {  	[sflag:s19] =	ssyncadd.s32 $0xFFFFFFB0  }
0xb5: {  	_ =	sfence.sel $0x180000  }
0xb6: {  	[bflag:$0x0] =	sbarrier.arrive $0xFFFF  }
0xb7: {  	_ =	strace $0x9000004A  }
0xb8: {  	s0 =	stileid.u32;
	[bflag:$0x2] =	sbarrier.arrive $0xFFFF  }
0xb9: {  	p0 =	sne.s32 s0, $0x0;
	s0 =	rddreg [dreg:$0x3]  }
0xba: {  	s0 =	sadd.s32 @!p0 $0x100000, s0  }
0xbb: {  	[sflag:s0] =	ssyncadd.tile.s32 @!p0 $0x1;
	_ =	shalt  }
.Lfunc_end2:
_tile_overlayer_lowered:
.L_overlay_start_2:
0xbc: {  	(tag) =	ssettag $0x2  }
0xbd: {  	s0 =	rddreg [dreg:$0x0];
	s2 =	stileid.u32  }
0xbe: {  	s1 =	rddreg [dreg:$0x1];
	p0 =	sne.s32 s2, $0x0  }
0xbf: {  	s3 =	rddreg [dreg:$0x2];
	[bflag:$0x3] =	sbarrier.arrive $0xFFFF;
	s2 =	simm.s32 @!p0 $0x1C09  }
0xc0: {  	[timem:s3], [sflag:s2] =	dma.local @!p0 [hbm:s0], s1  }
0xc1: {  	s0 =	simm.s32 @!p0 $0x9  }
0xc2: {  	_ =	swait.ge @!p0 [sflag:s0], s1  }
0xc3: {  	s1 =	ssub.s32 @!p0 $0x0, s1;
	[sflag:s0] =	ssyncset.done @!p0 $0x0  }
0xc4: {  	[sflag:s0] =	ssyncadd.s32 @!p0 s1  }
0xc5: {  	[bflag:$0x3] =	sbarrier.arrive $0xFFFF  }
0xc6: {  	_ =	shalt  }

</sc_bundles>
